<compile_context>
chip_gen: v7x
topology: tpu7x:2x2x1
jax: 0.10.2.dev20260603
libtpu: 0.0.44.dev20260713+nightly
codegen_flags: <defaults>
</compile_context>

<pallas_src>
import functools

import jax
import jax.numpy as jnp
from jax import lax
from jax.experimental import pallas as pl
from jax.experimental.pallas import tpu as pltpu
from jax.experimental.pallas import tpu_sc as plsc

B = 16
P = 512 * 512
NC, NS, L = 2, 16, 16
IMGS = B // NC
HALF = P // 2
CH = 8192
NB = 16384
EMAX, EMIN = 11.0, -9.0
W = (EMAX - EMIN) / NB
INVW = 1.0 / W
HWORDS = 2 * NB


UNROLL = 8


def _sc_body(logits_hbm, labels_hbm, out_hbm,
             lbuf0, gbuf0, lbuf1, gbuf1, hist, sem0, sem1):
    c = lax.axis_index("c")
    s = lax.axis_index("s")
    img = lax.rem(s, IMGS)
    half = s // IMGS

    @plsc.parallel_loop(0, HWORDS // L, unroll=8)
    def _(i):
        hist[pl.ds(i * L, L)] = jnp.zeros((L,), jnp.int32)

    ones16 = jnp.ones((L,), jnp.int32)
    gimg = c * IMGS + img
    row0 = half * (512 // 2)
    rpc = CH // 512
    bufs = [(lbuf0, gbuf0, sem0), (lbuf1, gbuf1, sem1)]
    nchunks = HALF // CH

    def copies(chunk, par):
        lb, gb, sem = bufs[par]
        r = row0 + chunk * rpc
        dl = pltpu.make_async_copy(
            logits_hbm.at[gimg, 0, pl.ds(r, rpc), :], lb, sem)
        dg = pltpu.make_async_copy(
            labels_hbm.at[gimg, 0, pl.ds(r, rpc), :], gb, sem)
        return dl, dg

    def issue(chunk, par):
        for d in copies(chunk, par):
            d.start()

    def drain(chunk, par):
        for d in copies(chunk, par):
            d.wait()

    def compute(par):
        lb, gb, _ = bufs[par]

        @plsc.parallel_loop(0, CH // L, unroll=UNROLL)
        def _(j):
            row = j // (512 // L)
            sl = pl.ds((j % (512 // L)) * L, L)
            z = lb[row, sl]
            g = gb[row, sl]
            gf = g.astype(jnp.float32)
            sgn = 2.0 * gf - 1.0
            t = z * INVW
            binf = t * sgn + ((EMAX - 1.0) * INVW)
            binf = jnp.minimum(jnp.maximum(binf, 0.0), float(NB - 1))
            idx = (binf + gf * float(NB)).astype(jnp.int32)
            plsc.addupdate_scatter(hist, [idx], ones16)

    issue(0, 0)
    issue(1, 1)

    def outer(t, _):
        for par in range(2):
            chunk = 2 * t + par
            drain(chunk, par)
            compute(par)
            issue(chunk + 2, par)
        return 0
    lax.fori_loop(0, nchunks // 2 - 1, outer, 0)

    for par in range(2):
        drain(nchunks - 2 + par, par)
        compute(par)

    obase = ((c * IMGS + img) * 2 + half) * HWORDS
    for k in range(HWORDS // CH):
        pltpu.sync_copy(hist.at[pl.ds(k * CH, CH)],
                        out_hbm.at[pl.ds(obase + k * CH, CH)])


@functools.cache
def _sc_hist():
    return functools.partial(
        pl.kernel,
        out_type=jax.ShapeDtypeStruct((B * 2 * HWORDS,), jnp.int32),
        mesh=plsc.VectorSubcoreMesh(core_axis_name="c", subcore_axis_name="s",
                                    num_cores=NC, num_subcores=NS),
        compiler_params=pltpu.CompilerParams(needs_layout_passes=False),
        scratch_types=[
            pltpu.VMEM((CH // 512, 512), jnp.float32),
            pltpu.VMEM((CH // 512, 512), jnp.int32),
            pltpu.VMEM((CH // 512, 512), jnp.float32),
            pltpu.VMEM((CH // 512, 512), jnp.int32),
            pltpu.VMEM((HWORDS,), jnp.int32),
            pltpu.SemaphoreType.DMA,
            pltpu.SemaphoreType.DMA,
        ],
    )(_sc_body)


ROWS = NB // 128


def _tc_body(hist_ref, out_ref):
    h = hist_ref[...].astype(jnp.float32)
    hr = h.reshape(B, 4, ROWS, 128)
    cnt0 = hr[:, 0] + hr[:, 2]
    cnt1 = hr[:, 1] + hr[:, 3]
    n = (cnt0 + cnt1).reshape(B * ROWS, 128)
    p = cnt1.reshape(B * ROWS, 128)

    dot = lambda a, b: lax.dot_general(
        a, b, (((1,), (0,)), ((), ())),
        precision=lax.Precision.HIGHEST, preferred_element_type=jnp.float32)

    c0 = lax.broadcasted_iota(jnp.int32, (128, 128), 0)
    c1 = lax.broadcasted_iota(jnp.int32, (128, 128), 1)
    miu = (c0 <= c1).astype(jnp.float32)
    r0 = lax.broadcasted_iota(jnp.int32, (ROWS, ROWS), 0)
    r1 = lax.broadcasted_iota(jnp.int32, (ROWS, ROWS), 1)
    msu = (r0 < r1).astype(jnp.float32)

    lane_n = dot(n, miu).reshape(B, ROWS, 128)
    lane_p = dot(p, miu).reshape(B, ROWS, 128)
    rows_n = jnp.sum(n, axis=1).reshape(B, ROWS)
    rows_p = jnp.sum(p, axis=1).reshape(B, ROWS)
    rex_n = dot(rows_n, msu)
    rex_p = dot(rows_p, msu)

    n_inc = lane_n + rex_n[..., None]
    c_inc = lane_p + rex_p[..., None]
    gts = jnp.sum(rows_p, axis=1)[:, None, None]

    denom = jnp.maximum(gts + n_inc - c_inc, 1.0)
    jac = jnp.where(n_inc < 0.5, 0.0, 1.0 - (gts - c_inc) / denom)

    b0 = lax.broadcasted_iota(jnp.int32, (ROWS, 128), 0)
    b1 = lax.broadcasted_iota(jnp.int32, (ROWS, 128), 1)
    binid = (b0 * 128 + b1).astype(jnp.float32)
    m_lo = jnp.maximum(EMAX - (binid + 0.5) * W, 0.0)
    m_hi = jnp.maximum(EMAX - (binid + 1.5) * W, 0.0)
    dm = (m_lo - m_hi)[None]

    out_ref[...] = jnp.sum(dm * jac).reshape(1, 1) * (1.0 / B)


_tc_finish = pl.pallas_call(
    _tc_body,
    out_shape=jax.ShapeDtypeStruct((1, 1), jnp.float32),
)


def kernel(input, target):
    hist = _sc_hist()(input, target)
    out = _tc_finish(hist.reshape(B * 2 * HWORDS // 128, 128))
    return out[0, 0]

# --- scband reference (transcript-rebuilt; emitter-appended) ---
"""Pipeline reference for scband-lovasz-hinge-loss-20675972563225 (READ-ONLY COPY).

The authoritative reference and input builder live on the scoring server;
editing this copy changes nothing except your own understanding.
"""

import jax, jax.numpy as jnp
import numpy as np


def lovasz_grad(gt_sorted):
    gts = jnp.sum(gt_sorted)
    intersection = gts - jnp.cumsum(gt_sorted, axis=0)
    union = gts + jnp.cumsum(1.0 - gt_sorted, axis=0)
    jaccard = 1.0 - intersection / union
    jaccard = jnp.concatenate([jaccard[:1], jaccard[1:] - jaccard[:-1]], axis=0)
    return jaccard


def lovasz_hinge_flat(logits, labels):
    # logits, labels: [P]
    signs = 2.0 * labels - 1.0
    errors = 1.0 - logits * signs
    perm = jnp.argsort(-errors)  # descending sort permutation
    errors_sorted = jnp.take(errors, perm)
    gt_sorted = jnp.take(labels, perm)
    grad = jax.lax.stop_gradient(lovasz_grad(gt_sorted))
    return jnp.dot(jax.nn.relu(errors_sorted), grad)


def setup_inputs(seed: int = 0) -> dict:
    key = jax.random.key(seed)
    k1, k2 = jax.random.split(key)
    input = jax.random.normal(k1, (16, 1, 512, 512), dtype=jnp.float32)
    target = jax.random.randint(k2, (16, 1, 512, 512), 0, 2, dtype=jnp.int32)
    return {"input": input, "target": target}


def reference(input, target):
    B = input.shape[0]
    logits = jnp.squeeze(input, 1).reshape(B, -1)
    labels = jnp.squeeze(target, 1).reshape(B, -1).astype(jnp.float32)
    losses = jax.vmap(lovasz_hinge_flat)(logits, labels)
    return jnp.mean(losses)  # per_image=True -> mean over images

if __name__ == "__main__":
    import jax
    _d = setup_inputs()
    print(jax.jit(kernel)(*tuple(_d.values())))

</pallas_src>

<mosaic_0001>
#map = affine_map<(d0, d1) -> (0, 0, 0, 0)>
#map1 = affine_map<(d0, d1) -> (0)>
module attributes {stable_mosaic.version = 14 : i64} {
  func.func @_sc_body(%arg0: i32, %arg1: i32, %arg2: memref<16x1x512x512xf32, #tpu.memory_space<hbm>>, %arg3: memref<16x1x512x512xi32, #tpu.memory_space<hbm>>, %arg4: memref<1048576xi32, #tpu.memory_space<hbm>>, %arg5: memref<16x512xf32, #tpu.memory_space<vmem>>, %arg6: memref<16x512xi32, #tpu.memory_space<vmem>>, %arg7: memref<16x512xf32, #tpu.memory_space<vmem>>, %arg8: memref<16x512xi32, #tpu.memory_space<vmem>>, %arg9: memref<32768xi32, #tpu.memory_space<vmem>>, %arg10: memref<!tpu.dma_semaphore, #tpu.memory_space<semaphore_mem>>, %arg11: memref<!tpu.dma_semaphore, #tpu.memory_space<semaphore_mem>>) attributes {dimension_semantics = [#tpu.dimension_semantics<core_parallel>, #tpu.dimension_semantics<subcore_parallel>], iteration_bounds = array<i64: 2, 16>, scalar_prefetch = 0 : i64, scratch_operands = 7 : i64, tpu.core_type = #tpu.core_type<sc_vector_subcore>, window_params = [{transform_indices = #map}, {transform_indices = #map}, {transform_indices = #map1}]} {
    %rem3A = arith.constant 8 : i32
    %rem3A_0 = arith.remsi %arg1, %rem3A : i32
    %jit3A = arith.constant 8 : i32
    %div3A = arith.divsi %arg1, %jit3A : i32
    %sign3A = arith.constant 0 : i32
    %sign3A_1 = arith.cmpi sgt, %arg1, %sign3A : i32
    %sign3A_2 = arith.extui %sign3A_1 : i1 to i32
    %sign3A_3 = arith.constant 0 : i32
    %sign3A_4 = arith.cmpi slt, %arg1, %sign3A_3 : i32
    %sign3A_5 = arith.extui %sign3A_4 : i1 to i32
    %sign3A_6 = arith.subi %sign3A_2, %sign3A_5 : i32
    %sign3A_7 = arith.constant 0 : i32
    %sign3A_8 = arith.cmpi sgt, %jit3A, %sign3A_7 : i32
    %sign3A_9 = arith.extui %sign3A_8 : i1 to i32
    %sign3A_10 = arith.constant 0 : i32
    %sign3A_11 = arith.cmpi slt, %jit3A, %sign3A_10 : i32
    %sign3A_12 = arith.extui %sign3A_11 : i1 to i32
    %sign3A_13 = arith.subi %sign3A_9, %sign3A_12 : i32
    %ne3A = arith.cmpi ne, %sign3A_6, %sign3A_13 : i32
    %rem3A_14 = arith.remsi %arg1, %jit3A : i32
    %ne3A_15 = arith.constant 0 : i32
    %ne3A_16 = arith.cmpi ne, %rem3A_14, %ne3A_15 : i32
    %and3A = arith.andi %ne3A, %ne3A_16 : i1
    %sub3A = arith.constant 1 : i32
    %sub3A_17 = arith.subi %div3A, %sub3A : i32
    %select_n3A = arith.select %and3A, %sub3A_17, %div3A : i32
    %parallel_loop3A = arith.constant 0 : i32
    %parallel_loop3A_18 = arith.constant 2048 : i32
    %parallel_loop3A_19 = arith.constant 1 : i32
    scf.for %parallel_loop3A_114 = %parallel_loop3A to %parallel_loop3A_18 step %parallel_loop3A_19  : i32 {
      %parallel_loop3A_115 = arith.constant 0 : i32
      %parallel_loop3A_116 = vector.broadcast %parallel_loop3A_115 : i32 to vector<16xi32>
      %parallel_loop3A_117 = arith.constant 16 : i32
      %parallel_loop3A_118 = arith.muli %parallel_loop3A_114, %parallel_loop3A_117 : i32
      %parallel_loop3A_119 = arith.index_cast %parallel_loop3A_118 : i32 to index
      %parallel_loop3A_120 = tpu.vector_load %arg9[%parallel_loop3A_119] {strides = array<i32>} : memref<32768xi32, #tpu.memory_space<vmem>>, vector<16xi32>,
      tpu.vector_store %arg9[%parallel_loop3A_119], %parallel_loop3A_116 {strides = array<i32>} : memref<32768xi32, #tpu.memory_space<vmem>>, vector<16xi32>,
    } {sc.loop_unroll_factor = 8 : i64, sc.parallel_access}
    %broadcast_in_dim3A = arith.constant 1 : i32
    %broadcast_in_dim3A_20 = vector.broadcast %broadcast_in_dim3A : i32 to vector<16xi32>
    %mul3A = arith.constant 8 : i32
    %mul3A_21 = arith.muli %arg0, %mul3A : i32
    %add3A = arith.addi %mul3A_21, %rem3A_0 : i32
    %mul3A_22 = arith.constant 256 : i32
    %mul3A_23 = arith.muli %select_n3A, %mul3A_22 : i32
    %add3A_24 = arith.constant 0 : i32
    %add3A_25 = arith.addi %mul3A_23, %add3A_24 : i32
    %dma_start3A = arith.constant 0 : i32
    %dma_start3A_26 = arith.constant 0 : i32
    %dma_start3A_27 = tpu.memref_slice %arg2[%add3A, %dma_start3A, %add3A_25, %dma_start3A_26] : memref<16x1x512x512xf32, #tpu.memory_space<hbm>> -> memref<1x1x16x512xf32, #tpu.memory_space<hbm>>
    %dma_start3A_28 = tpu.memref_squeeze %dma_start3A_27 : memref<1x1x16x512xf32, #tpu.memory_space<hbm>> -> memref<16x512xf32, #tpu.memory_space<hbm>>
    %dma_start3A_29 = arith.constant 0 : i32
    %dma_start3A_30 = tpu.memref_slice %arg2[%add3A, %dma_start3A, %add3A_25, %dma_start3A_29] : memref<16x1x512x512xf32, #tpu.memory_space<hbm>> -> memref<1x1x16x512xf32, #tpu.memory_space<hbm>>
    %dma_start3A_31 = tpu.memref_squeeze %dma_start3A_30 : memref<1x1x16x512xf32, #tpu.memory_space<hbm>> -> memref<16x512xf32, #tpu.memory_space<hbm>>
    tpu.enqueue_dma source(%dma_start3A_31 : memref<16x512xf32, #tpu.memory_space<hbm>>) target(%arg5 : memref<16x512xf32, #tpu.memory_space<vmem>>) target_semaphore(%arg10 : memref<!tpu.dma_semaphore, #tpu.memory_space<semaphore_mem>>)
    %dma_start3A_32 = arith.constant 0 : i32
    %dma_start3A_33 = arith.constant 0 : i32
    %dma_start3A_34 = tpu.memref_slice %arg3[%add3A, %dma_start3A_32, %add3A_25, %dma_start3A_33] : memref<16x1x512x512xi32, #tpu.memory_space<hbm>> -> memref<1x1x16x512xi32, #tpu.memory_space<hbm>>
    %dma_start3A_35 = tpu.memref_squeeze %dma_start3A_34 : memref<1x1x16x512xi32, #tpu.memory_space<hbm>> -> memref<16x512xi32, #tpu.memory_space<hbm>>
    %dma_start3A_36 = arith.constant 0 : i32
    %dma_start3A_37 = tpu.memref_slice %arg3[%add3A, %dma_start3A_32, %add3A_25, %dma_start3A_36] : memref<16x1x512x512xi32, #tpu.memory_space<hbm>> -> memref<1x1x16x512xi32, #tpu.memory_space<hbm>>
    %dma_start3A_38 = tpu.memref_squeeze %dma_start3A_37 : memref<1x1x16x512xi32, #tpu.memory_space<hbm>> -> memref<16x512xi32, #tpu.memory_space<hbm>>
    tpu.enqueue_dma source(%dma_start3A_38 : memref<16x512xi32, #tpu.memory_space<hbm>>) target(%arg6 : memref<16x512xi32, #tpu.memory_space<vmem>>) target_semaphore(%arg10 : memref<!tpu.dma_semaphore, #tpu.memory_space<semaphore_mem>>)
    %add3A_39 = arith.constant 16 : i32
    %add3A_40 = arith.addi %mul3A_23, %add3A_39 : i32
    %dma_start3A_41 = arith.constant 0 : i32
    %dma_start3A_42 = arith.constant 0 : i32
    %dma_start3A_43 = tpu.memref_slice %arg2[%add3A, %dma_start3A_41, %add3A_40, %dma_start3A_42] : memref<16x1x512x512xf32, #tpu.memory_space<hbm>> -> memref<1x1x16x512xf32, #tpu.memory_space<hbm>>
    %dma_start3A_44 = tpu.memref_squeeze %dma_start3A_43 : memref<1x1x16x512xf32, #tpu.memory_space<hbm>> -> memref<16x512xf32, #tpu.memory_space<hbm>>
    %dma_start3A_45 = arith.constant 0 : i32
    %dma_start3A_46 = tpu.memref_slice %arg2[%add3A, %dma_start3A_41, %add3A_40, %dma_start3A_45] : memref<16x1x512x512xf32, #tpu.memory_space<hbm>> -> memref<1x1x16x512xf32, #tpu.memory_space<hbm>>
    %dma_start3A_47 = tpu.memref_squeeze %dma_start3A_46 : memref<1x1x16x512xf32, #tpu.memory_space<hbm>> -> memref<16x512xf32, #tpu.memory_space<hbm>>
    tpu.enqueue_dma source(%dma_start3A_47 : memref<16x512xf32, #tpu.memory_space<hbm>>) target(%arg7 : memref<16x512xf32, #tpu.memory_space<vmem>>) target_semaphore(%arg11 : memref<!tpu.dma_semaphore, #tpu.memory_space<semaphore_mem>>)
    %dma_start3A_48 = arith.constant 0 : i32
    %dma_start3A_49 = arith.constant 0 : i32
    %dma_start3A_50 = tpu.memref_slice %arg3[%add3A, %dma_start3A_48, %add3A_40, %dma_start3A_49] : memref<16x1x512x512xi32, #tpu.memory_space<hbm>> -> memref<1x1x16x512xi32, #tpu.memory_space<hbm>>
    %dma_start3A_51 = tpu.memref_squeeze %dma_start3A_50 : memref<1x1x16x512xi32, #tpu.memory_space<hbm>> -> memref<16x512xi32, #tpu.memory_space<hbm>>
    %dma_start3A_52 = arith.constant 0 : i32
    %dma_start3A_53 = tpu.memref_slice %arg3[%add3A, %dma_start3A_48, %add3A_40, %dma_start3A_52] : memref<16x1x512x512xi32, #tpu.memory_space<hbm>> -> memref<1x1x16x512xi32, #tpu.memory_space<hbm>>
    %dma_start3A_54 = tpu.memref_squeeze %dma_start3A_53 : memref<1x1x16x512xi32, #tpu.memory_space<hbm>> -> memref<16x512xi32, #tpu.memory_space<hbm>>
    tpu.enqueue_dma source(%dma_start3A_54 : memref<16x512xi32, #tpu.memory_space<hbm>>) target(%arg8 : memref<16x512xi32, #tpu.memory_space<vmem>>) target_semaphore(%arg11 : memref<!tpu.dma_semaphore, #tpu.memory_space<semaphore_mem>>)
    %scan3A = arith.constant 0 : i32
    %scan3A_55 = arith.constant 0 : i32
    %scan3A_56 = arith.constant 7 : i32
    %scan3A_57 = arith.addi %scan3A_55, %scan3A_56 : i32
    %scan3A_58 = arith.constant 1 : i32
    %scan3A_59 = scf.for %scan3A_114 = %scan3A_55 to %scan3A_57 step %scan3A_58 iter_args(%scan3A_115 = %scan3A) -> (i32)  : i32 {
      %mul3A_116 = arith.constant 2 : i32
      %mul3A_117 = arith.muli %mul3A_116, %scan3A_114 : i32
      %add3A_118 = arith.constant 0 : i32
      %add3A_119 = arith.addi %mul3A_117, %add3A_118 : i32
      %mul3A_120 = arith.constant 16 : i32
      %mul3A_121 = arith.muli %add3A_119, %mul3A_120 : i32
      %add3A_122 = arith.addi %mul3A_23, %mul3A_121 : i32
      %dma_wait3A_123 = arith.constant 0 : i32
      %dma_wait3A_124 = arith.constant 0 : i32
      %dma_wait3A_125 = tpu.memref_slice %arg2[%add3A, %dma_wait3A_123, %add3A_122, %dma_wait3A_124] : memref<16x1x512x512xf32, #tpu.memory_space<hbm>> -> memref<1x1x16x512xf32, #tpu.memory_space<hbm>>
      %dma_wait3A_126 = tpu.memref_squeeze %dma_wait3A_125 : memref<1x1x16x512xf32, #tpu.memory_space<hbm>> -> memref<16x512xf32, #tpu.memory_space<hbm>>
      %dma_wait3A_127 = arith.constant 0 : i32
      %dma_wait3A_128 = tpu.memref_slice %arg2[%add3A, %dma_wait3A_123, %add3A_122, %dma_wait3A_127] : memref<16x1x512x512xf32, #tpu.memory_space<hbm>> -> memref<1x1x16x512xf32, #tpu.memory_space<hbm>>
      %dma_wait3A_129 = tpu.memref_squeeze %dma_wait3A_128 : memref<1x1x16x512xf32, #tpu.memory_space<hbm>> -> memref<16x512xf32, #tpu.memory_space<hbm>>
      tpu.wait_dma2 semaphore(%arg10 : memref<!tpu.dma_semaphore, #tpu.memory_space<semaphore_mem>>) src(%dma_wait3A_129 : memref<16x512xf32, #tpu.memory_space<hbm>>) dst(%arg5 : memref<16x512xf32, #tpu.memory_space<vmem>>)
      %dma_wait3A_130 = arith.constant 0 : i32
      %dma_wait3A_131 = arith.constant 0 : i32
      %dma_wait3A_132 = tpu.memref_slice %arg3[%add3A, %dma_wait3A_130, %add3A_122, %dma_wait3A_131] : memref<16x1x512x512xi32, #tpu.memory_space<hbm>> -> memref<1x1x16x512xi32, #tpu.memory_space<hbm>>
      %dma_wait3A_133 = tpu.memref_squeeze %dma_wait3A_132 : memref<1x1x16x512xi32, #tpu.memory_space<hbm>> -> memref<16x512xi32, #tpu.memory_space<hbm>>
      %dma_wait3A_134 = arith.constant 0 : i32
      %dma_wait3A_135 = tpu.memref_slice %arg3[%add3A, %dma_wait3A_130, %add3A_122, %dma_wait3A_134] : memref<16x1x512x512xi32, #tpu.memory_space<hbm>> -> memref<1x1x16x512xi32, #tpu.memory_space<hbm>>
      %dma_wait3A_136 = tpu.memref_squeeze %dma_wait3A_135 : memref<1x1x16x512xi32, #tpu.memory_space<hbm>> -> memref<16x512xi32, #tpu.memory_space<hbm>>
      tpu.wait_dma2 semaphore(%arg10 : memref<!tpu.dma_semaphore, #tpu.memory_space<semaphore_mem>>) src(%dma_wait3A_136 : memref<16x512xi32, #tpu.memory_space<hbm>>) dst(%arg6 : memref<16x512xi32, #tpu.memory_space<vmem>>)
      %parallel_loop3A_137 = arith.constant 0 : i32
      %parallel_loop3A_138 = arith.constant 512 : i32
      %parallel_loop3A_139 = arith.constant 1 : i32
      scf.for %parallel_loop3A_203 = %parallel_loop3A_137 to %parallel_loop3A_138 step %parallel_loop3A_139  : i32 {
        %parallel_loop3A_204 = arith.constant 32 : i32
        %parallel_loop3A_205 = arith.divsi %parallel_loop3A_203, %parallel_loop3A_204 : i32
        %parallel_loop3A_206 = arith.constant 0 : i32
        %parallel_loop3A_207 = arith.cmpi sgt, %parallel_loop3A_203, %parallel_loop3A_206 : i32
        %parallel_loop3A_208 = arith.extui %parallel_loop3A_207 : i1 to i32
        %parallel_loop3A_209 = arith.constant 0 : i32
        %parallel_loop3A_210 = arith.cmpi slt, %parallel_loop3A_203, %parallel_loop3A_209 : i32
        %parallel_loop3A_211 = arith.extui %parallel_loop3A_210 : i1 to i32
        %parallel_loop3A_212 = arith.subi %parallel_loop3A_208, %parallel_loop3A_211 : i32
        %parallel_loop3A_213 = arith.constant 0 : i32
        %parallel_loop3A_214 = arith.cmpi sgt, %parallel_loop3A_204, %parallel_loop3A_213 : i32
        %parallel_loop3A_215 = arith.extui %parallel_loop3A_214 : i1 to i32
        %parallel_loop3A_216 = arith.constant 0 : i32
        %parallel_loop3A_217 = arith.cmpi slt, %parallel_loop3A_204, %parallel_loop3A_216 : i32
        %parallel_loop3A_218 = arith.extui %parallel_loop3A_217 : i1 to i32
        %parallel_loop3A_219 = arith.subi %parallel_loop3A_215, %parallel_loop3A_218 : i32
        %parallel_loop3A_220 = arith.cmpi ne, %parallel_loop3A_212, %parallel_loop3A_219 : i32
        %parallel_loop3A_221 = arith.remsi %parallel_loop3A_203, %parallel_loop3A_204 : i32
        %parallel_loop3A_222 = arith.constant 0 : i32
        %parallel_loop3A_223 = arith.cmpi ne, %parallel_loop3A_221, %parallel_loop3A_222 : i32
        %parallel_loop3A_224 = arith.andi %parallel_loop3A_220, %parallel_loop3A_223 : i1
        %parallel_loop3A_225 = arith.constant 1 : i32
        %parallel_loop3A_226 = arith.subi %parallel_loop3A_205, %parallel_loop3A_225 : i32
        %parallel_loop3A_227 = arith.select %parallel_loop3A_224, %parallel_loop3A_226, %parallel_loop3A_205 : i32
        %parallel_loop3A_228 = arith.constant 32 : i32
        %parallel_loop3A_229 = arith.constant 0 : i32
        %parallel_loop3A_230 = arith.cmpi eq, %parallel_loop3A_228, %parallel_loop3A_229 : i32
        %parallel_loop3A_231 = arith.constant 1 : i32
        %parallel_loop3A_232 = arith.select %parallel_loop3A_230, %parallel_loop3A_231, %parallel_loop3A_228 : i32
        %parallel_loop3A_233 = arith.remsi %parallel_loop3A_203, %parallel_loop3A_232 : i32
        %parallel_loop3A_234 = arith.constant 0 : i32
        %parallel_loop3A_235 = arith.cmpi ne, %parallel_loop3A_233, %parallel_loop3A_234 : i32
        %parallel_loop3A_236 = arith.constant 0 : i32
        %parallel_loop3A_237 = arith.cmpi slt, %parallel_loop3A_233, %parallel_loop3A_236 : i32
        %parallel_loop3A_238 = arith.constant 0 : i32
        %parallel_loop3A_239 = arith.cmpi slt, %parallel_loop3A_232, %parallel_loop3A_238 : i32
        %parallel_loop3A_240 = arith.xori %parallel_loop3A_237, %parallel_loop3A_239 : i1
        %parallel_loop3A_241 = arith.andi %parallel_loop3A_240, %parallel_loop3A_235 : i1
        %parallel_loop3A_242 = arith.addi %parallel_loop3A_233, %parallel_loop3A_232 : i32
        %parallel_loop3A_243 = arith.select %parallel_loop3A_241, %parallel_loop3A_242, %parallel_loop3A_233 : i32
        %parallel_loop3A_244 = arith.constant 16 : i32
        %parallel_loop3A_245 = arith.muli %parallel_loop3A_243, %parallel_loop3A_244 : i32
        %parallel_loop3A_246 = arith.index_cast %parallel_loop3A_227 : i32 to index
        %parallel_loop3A_247 = arith.index_cast %parallel_loop3A_245 : i32 to index
        %parallel_loop3A_248 = tpu.vector_load %arg5[%parallel_loop3A_246, %parallel_loop3A_247] {strides = array<i32>} : memref<16x512xf32, #tpu.memory_space<vmem>>, vector<16xf32>,
        %parallel_loop3A_249 = arith.index_cast %parallel_loop3A_227 : i32 to index
        %parallel_loop3A_250 = arith.index_cast %parallel_loop3A_245 : i32 to index
        %parallel_loop3A_251 = tpu.vector_load %arg6[%parallel_loop3A_249, %parallel_loop3A_250] {strides = array<i32>} : memref<16x512xi32, #tpu.memory_space<vmem>>, vector<16xi32>,
        %parallel_loop3A_252 = arith.sitofp %parallel_loop3A_251 : vector<16xi32> to vector<16xf32>
        %parallel_loop3A_253 = arith.constant 2.000000e+00 : f32
        %parallel_loop3A_254 = vector.broadcast %parallel_loop3A_253 : f32 to vector<16xf32>
        %parallel_loop3A_255 = arith.mulf %parallel_loop3A_254, %parallel_loop3A_252 : vector<16xf32>
        %parallel_loop3A_256 = arith.constant 1.000000e+00 : f32
        %parallel_loop3A_257 = vector.broadcast %parallel_loop3A_256 : f32 to vector<16xf32>
        %parallel_loop3A_258 = arith.subf %parallel_loop3A_255, %parallel_loop3A_257 : vector<16xf32>
        %parallel_loop3A_259 = arith.constant 8.192000e+02 : f32
        %parallel_loop3A_260 = vector.broadcast %parallel_loop3A_259 : f32 to vector<16xf32>
        %parallel_loop3A_261 = arith.mulf %parallel_loop3A_248, %parallel_loop3A_260 : vector<16xf32>
        %parallel_loop3A_262 = arith.mulf %parallel_loop3A_261, %parallel_loop3A_258 : vector<16xf32>
        %parallel_loop3A_263 = arith.constant 8.192000e+03 : f32
        %parallel_loop3A_264 = vector.broadcast %parallel_loop3A_263 : f32 to vector<16xf32>
        %parallel_loop3A_265 = arith.addf %parallel_loop3A_262, %parallel_loop3A_264 : vector<16xf32>
        %parallel_loop3A_266 = arith.constant 0.000000e+00 : f32
        %parallel_loop3A_267 = vector.broadcast %parallel_loop3A_266 : f32 to vector<16xf32>
        %parallel_loop3A_268 = arith.maximumf %parallel_loop3A_265, %parallel_loop3A_267 : vector<16xf32>
        %parallel_loop3A_269 = arith.constant 1.638300e+04 : f32
        %parallel_loop3A_270 = vector.broadcast %parallel_loop3A_269 : f32 to vector<16xf32>
        %parallel_loop3A_271 = arith.minimumf %parallel_loop3A_268, %parallel_loop3A_270 : vector<16xf32>
        %parallel_loop3A_272 = arith.constant 1.638400e+04 : f32
        %parallel_loop3A_273 = vector.broadcast %parallel_loop3A_272 : f32 to vector<16xf32>
        %parallel_loop3A_274 = arith.mulf %parallel_loop3A_252, %parallel_loop3A_273 : vector<16xf32>
        %parallel_loop3A_275 = arith.addf %parallel_loop3A_271, %parallel_loop3A_274 : vector<16xf32>
        %parallel_loop3A_276 = arith.fptosi %parallel_loop3A_275 : vector<16xf32> to vector<16xi32>
        tpu.vector_store_idx %arg9[%parallel_loop3A_276], %broadcast_in_dim3A_20 {add = true} : memref<32768xi32, #tpu.memory_space<vmem>>[vector<16xi32>], vector<16xi32>,
      } {sc.loop_unroll_factor = 8 : i64, sc.parallel_access}
      %add3A_140 = arith.constant 2 : i32
      %add3A_141 = arith.addi %add3A_119, %add3A_140 : i32
      %mul3A_142 = arith.constant 16 : i32
      %mul3A_143 = arith.muli %add3A_141, %mul3A_142 : i32
      %add3A_144 = arith.addi %mul3A_23, %mul3A_143 : i32
      %dma_start3A_145 = arith.constant 0 : i32
      %dma_start3A_146 = arith.constant 0 : i32
      %dma_start3A_147 = tpu.memref_slice %arg2[%add3A, %dma_start3A_145, %add3A_144, %dma_start3A_146] : memref<16x1x512x512xf32, #tpu.memory_space<hbm>> -> memref<1x1x16x512xf32, #tpu.memory_space<hbm>>
      %dma_start3A_148 = tpu.memref_squeeze %dma_start3A_147 : memref<1x1x16x512xf32, #tpu.memory_space<hbm>> -> memref<16x512xf32, #tpu.memory_space<hbm>>
      %dma_start3A_149 = arith.constant 0 : i32
      %dma_start3A_150 = tpu.memref_slice %arg2[%add3A, %dma_start3A_145, %add3A_144, %dma_start3A_149] : memref<16x1x512x512xf32, #tpu.memory_space<hbm>> -> memref<1x1x16x512xf32, #tpu.memory_space<hbm>>
      %dma_start3A_151 = tpu.memref_squeeze %dma_start3A_150 : memref<1x1x16x512xf32, #tpu.memory_space<hbm>> -> memref<16x512xf32, #tpu.memory_space<hbm>>
      tpu.enqueue_dma source(%dma_start3A_151 : memref<16x512xf32, #tpu.memory_space<hbm>>) target(%arg5 : memref<16x512xf32, #tpu.memory_space<vmem>>) target_semaphore(%arg10 : memref<!tpu.dma_semaphore, #tpu.memory_space<semaphore_mem>>)
      %dma_start3A_152 = arith.constant 0 : i32
      %dma_start3A_153 = arith.constant 0 : i32
      %dma_start3A_154 = tpu.memref_slice %arg3[%add3A, %dma_start3A_152, %add3A_144, %dma_start3A_153] : memref<16x1x512x512xi32, #tpu.memory_space<hbm>> -> memref<1x1x16x512xi32, #tpu.memory_space<hbm>>
      %dma_start3A_155 = tpu.memref_squeeze %dma_start3A_154 : memref<1x1x16x512xi32, #tpu.memory_space<hbm>> -> memref<16x512xi32, #tpu.memory_space<hbm>>
      %dma_start3A_156 = arith.constant 0 : i32
      %dma_start3A_157 = tpu.memref_slice %arg3[%add3A, %dma_start3A_152, %add3A_144, %dma_start3A_156] : memref<16x1x512x512xi32, #tpu.memory_space<hbm>> -> memref<1x1x16x512xi32, #tpu.memory_space<hbm>>
      %dma_start3A_158 = tpu.memref_squeeze %dma_start3A_157 : memref<1x1x16x512xi32, #tpu.memory_space<hbm>> -> memref<16x512xi32, #tpu.memory_space<hbm>>
      tpu.enqueue_dma source(%dma_start3A_158 : memref<16x512xi32, #tpu.memory_space<hbm>>) target(%arg6 : memref<16x512xi32, #tpu.memory_space<vmem>>) target_semaphore(%arg10 : memref<!tpu.dma_semaphore, #tpu.memory_space<semaphore_mem>>)
      %mul3A_159 = arith.constant 2 : i32
      %mul3A_160 = arith.muli %mul3A_159, %scan3A_114 : i32
      %add3A_161 = arith.constant 1 : i32
      %add3A_162 = arith.addi %mul3A_160, %add3A_161 : i32
      %mul3A_163 = arith.constant 16 : i32
      %mul3A_164 = arith.muli %add3A_162, %mul3A_163 : i32
      %add3A_165 = arith.addi %mul3A_23, %mul3A_164 : i32
      %dma_wait3A_166 = arith.constant 0 : i32
      %dma_wait3A_167 = arith.constant 0 : i32
      %dma_wait3A_168 = tpu.memref_slice %arg2[%add3A, %dma_wait3A_166, %add3A_165, %dma_wait3A_167] : memref<16x1x512x512xf32, #tpu.memory_space<hbm>> -> memref<1x1x16x512xf32, #tpu.memory_space<hbm>>
      %dma_wait3A_169 = tpu.memref_squeeze %dma_wait3A_168 : memref<1x1x16x512xf32, #tpu.memory_space<hbm>> -> memref<16x512xf32, #tpu.memory_space<hbm>>
      %dma_wait3A_170 = arith.constant 0 : i32
      %dma_wait3A_171 = tpu.memref_slice %arg2[%add3A, %dma_wait3A_166, %add3A_165, %dma_wait3A_170] : memref<16x1x512x512xf32, #tpu.memory_space<hbm>> -> memref<1x1x16x512xf32, #tpu.memory_space<hbm>>
      %dma_wait3A_172 = tpu.memref_squeeze %dma_wait3A_171 : memref<1x1x16x512xf32, #tpu.memory_space<hbm>> -> memref<16x512xf32, #tpu.memory_space<hbm>>
      tpu.wait_dma2 semaphore(%arg11 : memref<!tpu.dma_semaphore, #tpu.memory_space<semaphore_mem>>) src(%dma_wait3A_172 : memref<16x512xf32, #tpu.memory_space<hbm>>) dst(%arg7 : memref<16x512xf32, #tpu.memory_space<vmem>>)
      %dma_wait3A_173 = arith.constant 0 : i32
      %dma_wait3A_174 = arith.constant 0 : i32
      %dma_wait3A_175 = tpu.memref_slice %arg3[%add3A, %dma_wait3A_173, %add3A_165, %dma_wait3A_174] : memref<16x1x512x512xi32, #tpu.memory_space<hbm>> -> memref<1x1x16x512xi32, #tpu.memory_space<hbm>>
      %dma_wait3A_176 = tpu.memref_squeeze %dma_wait3A_175 : memref<1x1x16x512xi32, #tpu.memory_space<hbm>> -> memref<16x512xi32, #tpu.memory_space<hbm>>
      %dma_wait3A_177 = arith.constant 0 : i32
      %dma_wait3A_178 = tpu.memref_slice %arg3[%add3A, %dma_wait3A_173, %add3A_165, %dma_wait3A_177] : memref<16x1x512x512xi32, #tpu.memory_space<hbm>> -> memref<1x1x16x512xi32, #tpu.memory_space<hbm>>
      %dma_wait3A_179 = tpu.memref_squeeze %dma_wait3A_178 : memref<1x1x16x512xi32, #tpu.memory_space<hbm>> -> memref<16x512xi32, #tpu.memory_space<hbm>>
      tpu.wait_dma2 semaphore(%arg11 : memref<!tpu.dma_semaphore, #tpu.memory_space<semaphore_mem>>) src(%dma_wait3A_179 : memref<16x512xi32, #tpu.memory_space<hbm>>) dst(%arg8 : memref<16x512xi32, #tpu.memory_space<vmem>>)
      %parallel_loop3A_180 = arith.constant 0 : i32
      %parallel_loop3A_181 = arith.constant 512 : i32
      %parallel_loop3A_182 = arith.constant 1 : i32
      scf.for %parallel_loop3A_203 = %parallel_loop3A_180 to %parallel_loop3A_181 step %parallel_loop3A_182  : i32 {
        %parallel_loop3A_204 = arith.constant 32 : i32
        %parallel_loop3A_205 = arith.divsi %parallel_loop3A_203, %parallel_loop3A_204 : i32
        %parallel_loop3A_206 = arith.constant 0 : i32
        %parallel_loop3A_207 = arith.cmpi sgt, %parallel_loop3A_203, %parallel_loop3A_206 : i32
        %parallel_loop3A_208 = arith.extui %parallel_loop3A_207 : i1 to i32
        %parallel_loop3A_209 = arith.constant 0 : i32
        %parallel_loop3A_210 = arith.cmpi slt, %parallel_loop3A_203, %parallel_loop3A_209 : i32
        %parallel_loop3A_211 = arith.extui %parallel_loop3A_210 : i1 to i32
        %parallel_loop3A_212 = arith.subi %parallel_loop3A_208, %parallel_loop3A_211 : i32
        %parallel_loop3A_213 = arith.constant 0 : i32
        %parallel_loop3A_214 = arith.cmpi sgt, %parallel_loop3A_204, %parallel_loop3A_213 : i32
        %parallel_loop3A_215 = arith.extui %parallel_loop3A_214 : i1 to i32
        %parallel_loop3A_216 = arith.constant 0 : i32
        %parallel_loop3A_217 = arith.cmpi slt, %parallel_loop3A_204, %parallel_loop3A_216 : i32
        %parallel_loop3A_218 = arith.extui %parallel_loop3A_217 : i1 to i32
        %parallel_loop3A_219 = arith.subi %parallel_loop3A_215, %parallel_loop3A_218 : i32
        %parallel_loop3A_220 = arith.cmpi ne, %parallel_loop3A_212, %parallel_loop3A_219 : i32
        %parallel_loop3A_221 = arith.remsi %parallel_loop3A_203, %parallel_loop3A_204 : i32
        %parallel_loop3A_222 = arith.constant 0 : i32
        %parallel_loop3A_223 = arith.cmpi ne, %parallel_loop3A_221, %parallel_loop3A_222 : i32
        %parallel_loop3A_224 = arith.andi %parallel_loop3A_220, %parallel_loop3A_223 : i1
        %parallel_loop3A_225 = arith.constant 1 : i32
        %parallel_loop3A_226 = arith.subi %parallel_loop3A_205, %parallel_loop3A_225 : i32
        %parallel_loop3A_227 = arith.select %parallel_loop3A_224, %parallel_loop3A_226, %parallel_loop3A_205 : i32
        %parallel_loop3A_228 = arith.constant 32 : i32
        %parallel_loop3A_229 = arith.constant 0 : i32
        %parallel_loop3A_230 = arith.cmpi eq, %parallel_loop3A_228, %parallel_loop3A_229 : i32
        %parallel_loop3A_231 = arith.constant 1 : i32
        %parallel_loop3A_232 = arith.select %parallel_loop3A_230, %parallel_loop3A_231, %parallel_loop3A_228 : i32
        %parallel_loop3A_233 = arith.remsi %parallel_loop3A_203, %parallel_loop3A_232 : i32
        %parallel_loop3A_234 = arith.constant 0 : i32
        %parallel_loop3A_235 = arith.cmpi ne, %parallel_loop3A_233, %parallel_loop3A_234 : i32
        %parallel_loop3A_236 = arith.constant 0 : i32
        %parallel_loop3A_237 = arith.cmpi slt, %parallel_loop3A_233, %parallel_loop3A_236 : i32
        %parallel_loop3A_238 = arith.constant 0 : i32
        %parallel_loop3A_239 = arith.cmpi slt, %parallel_loop3A_232, %parallel_loop3A_238 : i32
        %parallel_loop3A_240 = arith.xori %parallel_loop3A_237, %parallel_loop3A_239 : i1
        %parallel_loop3A_241 = arith.andi %parallel_loop3A_240, %parallel_loop3A_235 : i1
        %parallel_loop3A_242 = arith.addi %parallel_loop3A_233, %parallel_loop3A_232 : i32
        %parallel_loop3A_243 = arith.select %parallel_loop3A_241, %parallel_loop3A_242, %parallel_loop3A_233 : i32
        %parallel_loop3A_244 = arith.constant 16 : i32
        %parallel_loop3A_245 = arith.muli %parallel_loop3A_243, %parallel_loop3A_244 : i32
        %parallel_loop3A_246 = arith.index_cast %parallel_loop3A_227 : i32 to index
        %parallel_loop3A_247 = arith.index_cast %parallel_loop3A_245 : i32 to index
        %parallel_loop3A_248 = tpu.vector_load %arg7[%parallel_loop3A_246, %parallel_loop3A_247] {strides = array<i32>} : memref<16x512xf32, #tpu.memory_space<vmem>>, vector<16xf32>,
        %parallel_loop3A_249 = arith.index_cast %parallel_loop3A_227 : i32 to index
        %parallel_loop3A_250 = arith.index_cast %parallel_loop3A_245 : i32 to index
        %parallel_loop3A_251 = tpu.vector_load %arg8[%parallel_loop3A_249, %parallel_loop3A_250] {strides = array<i32>} : memref<16x512xi32, #tpu.memory_space<vmem>>, vector<16xi32>,
        %parallel_loop3A_252 = arith.sitofp %parallel_loop3A_251 : vector<16xi32> to vector<16xf32>
        %parallel_loop3A_253 = arith.constant 2.000000e+00 : f32
        %parallel_loop3A_254 = vector.broadcast %parallel_loop3A_253 : f32 to vector<16xf32>
        %parallel_loop3A_255 = arith.mulf %parallel_loop3A_254, %parallel_loop3A_252 : vector<16xf32>
        %parallel_loop3A_256 = arith.constant 1.000000e+00 : f32
        %parallel_loop3A_257 = vector.broadcast %parallel_loop3A_256 : f32 to vector<16xf32>
        %parallel_loop3A_258 = arith.subf %parallel_loop3A_255, %parallel_loop3A_257 : vector<16xf32>
        %parallel_loop3A_259 = arith.constant 8.192000e+02 : f32
        %parallel_loop3A_260 = vector.broadcast %parallel_loop3A_259 : f32 to vector<16xf32>
        %parallel_loop3A_261 = arith.mulf %parallel_loop3A_248, %parallel_loop3A_260 : vector<16xf32>
        %parallel_loop3A_262 = arith.mulf %parallel_loop3A_261, %parallel_loop3A_258 : vector<16xf32>
        %parallel_loop3A_263 = arith.constant 8.192000e+03 : f32
        %parallel_loop3A_264 = vector.broadcast %parallel_loop3A_263 : f32 to vector<16xf32>
        %parallel_loop3A_265 = arith.addf %parallel_loop3A_262, %parallel_loop3A_264 : vector<16xf32>
        %parallel_loop3A_266 = arith.constant 0.000000e+00 : f32
        %parallel_loop3A_267 = vector.broadcast %parallel_loop3A_266 : f32 to vector<16xf32>
        %parallel_loop3A_268 = arith.maximumf %parallel_loop3A_265, %parallel_loop3A_267 : vector<16xf32>
        %parallel_loop3A_269 = arith.constant 1.638300e+04 : f32
        %parallel_loop3A_270 = vector.broadcast %parallel_loop3A_269 : f32 to vector<16xf32>
        %parallel_loop3A_271 = arith.minimumf %parallel_loop3A_268, %parallel_loop3A_270 : vector<16xf32>
        %parallel_loop3A_272 = arith.constant 1.638400e+04 : f32
        %parallel_loop3A_273 = vector.broadcast %parallel_loop3A_272 : f32 to vector<16xf32>
        %parallel_loop3A_274 = arith.mulf %parallel_loop3A_252, %parallel_loop3A_273 : vector<16xf32>
        %parallel_loop3A_275 = arith.addf %parallel_loop3A_271, %parallel_loop3A_274 : vector<16xf32>
        %parallel_loop3A_276 = arith.fptosi %parallel_loop3A_275 : vector<16xf32> to vector<16xi32>
        tpu.vector_store_idx %arg9[%parallel_loop3A_276], %broadcast_in_dim3A_20 {add = true} : memref<32768xi32, #tpu.memory_space<vmem>>[vector<16xi32>], vector<16xi32>,
      } {sc.loop_unroll_factor = 8 : i64, sc.parallel_access}
      %add3A_183 = arith.constant 2 : i32
      %add3A_184 = arith.addi %add3A_162, %add3A_183 : i32
      %mul3A_185 = arith.constant 16 : i32
      %mul3A_186 = arith.muli %add3A_184, %mul3A_185 : i32
      %add3A_187 = arith.addi %mul3A_23, %mul3A_186 : i32
      %dma_start3A_188 = arith.constant 0 : i32
      %dma_start3A_189 = arith.constant 0 : i32
      %dma_start3A_190 = tpu.memref_slice %arg2[%add3A, %dma_start3A_188, %add3A_187, %dma_start3A_189] : memref<16x1x512x512xf32, #tpu.memory_space<hbm>> -> memref<1x1x16x512xf32, #tpu.memory_space<hbm>>
      %dma_start3A_191 = tpu.memref_squeeze %dma_start3A_190 : memref<1x1x16x512xf32, #tpu.memory_space<hbm>> -> memref<16x512xf32, #tpu.memory_space<hbm>>
      %dma_start3A_192 = arith.constant 0 : i32
      %dma_start3A_193 = tpu.memref_slice %arg2[%add3A, %dma_start3A_188, %add3A_187, %dma_start3A_192] : memref<16x1x512x512xf32, #tpu.memory_space<hbm>> -> memref<1x1x16x512xf32, #tpu.memory_space<hbm>>
      %dma_start3A_194 = tpu.memref_squeeze %dma_start3A_193 : memref<1x1x16x512xf32, #tpu.memory_space<hbm>> -> memref<16x512xf32, #tpu.memory_space<hbm>>
      tpu.enqueue_dma source(%dma_start3A_194 : memref<16x512xf32, #tpu.memory_space<hbm>>) target(%arg7 : memref<16x512xf32, #tpu.memory_space<vmem>>) target_semaphore(%arg11 : memref<!tpu.dma_semaphore, #tpu.memory_space<semaphore_mem>>)
      %dma_start3A_195 = arith.constant 0 : i32
      %dma_start3A_196 = arith.constant 0 : i32
      %dma_start3A_197 = tpu.memref_slice %arg3[%add3A, %dma_start3A_195, %add3A_187, %dma_start3A_196] : memref<16x1x512x512xi32, #tpu.memory_space<hbm>> -> memref<1x1x16x512xi32, #tpu.memory_space<hbm>>
      %dma_start3A_198 = tpu.memref_squeeze %dma_start3A_197 : memref<1x1x16x512xi32, #tpu.memory_space<hbm>> -> memref<16x512xi32, #tpu.memory_space<hbm>>
      %dma_start3A_199 = arith.constant 0 : i32
      %dma_start3A_200 = tpu.memref_slice %arg3[%add3A, %dma_start3A_195, %add3A_187, %dma_start3A_199] : memref<16x1x512x512xi32, #tpu.memory_space<hbm>> -> memref<1x1x16x512xi32, #tpu.memory_space<hbm>>
      %dma_start3A_201 = tpu.memref_squeeze %dma_start3A_200 : memref<1x1x16x512xi32, #tpu.memory_space<hbm>> -> memref<16x512xi32, #tpu.memory_space<hbm>>
      tpu.enqueue_dma source(%dma_start3A_201 : memref<16x512xi32, #tpu.memory_space<hbm>>) target(%arg8 : memref<16x512xi32, #tpu.memory_space<vmem>>) target_semaphore(%arg11 : memref<!tpu.dma_semaphore, #tpu.memory_space<semaphore_mem>>)
      %scan3A_202 = arith.constant 0 : i32
      scf.yield %scan3A_202 : i32
    }
    %scan3A_60 = arith.constant 7 : i32
    %add3A_61 = arith.constant 224 : i32
    %add3A_62 = arith.addi %mul3A_23, %add3A_61 : i32
    %dma_wait3A = arith.constant 0 : i32
    %dma_wait3A_63 = arith.constant 0 : i32
    %dma_wait3A_64 = tpu.memref_slice %arg2[%add3A, %dma_wait3A, %add3A_62, %dma_wait3A_63] : memref<16x1x512x512xf32, #tpu.memory_space<hbm>> -> memref<1x1x16x512xf32, #tpu.memory_space<hbm>>
    %dma_wait3A_65 = tpu.memref_squeeze %dma_wait3A_64 : memref<1x1x16x512xf32, #tpu.memory_space<hbm>> -> memref<16x512xf32, #tpu.memory_space<hbm>>
    %dma_wait3A_66 = arith.constant 0 : i32
    %dma_wait3A_67 = tpu.memref_slice %arg2[%add3A, %dma_wait3A, %add3A_62, %dma_wait3A_66] : memref<16x1x512x512xf32, #tpu.memory_space<hbm>> -> memref<1x1x16x512xf32, #tpu.memory_space<hbm>>
    %dma_wait3A_68 = tpu.memref_squeeze %dma_wait3A_67 : memref<1x1x16x512xf32, #tpu.memory_space<hbm>> -> memref<16x512xf32, #tpu.memory_space<hbm>>
    tpu.wait_dma2 semaphore(%arg10 : memref<!tpu.dma_semaphore, #tpu.memory_space<semaphore_mem>>) src(%dma_wait3A_68 : memref<16x512xf32, #tpu.memory_space<hbm>>) dst(%arg5 : memref<16x512xf32, #tpu.memory_space<vmem>>)
    %dma_wait3A_69 = arith.constant 0 : i32
    %dma_wait3A_70 = arith.constant 0 : i32
    %dma_wait3A_71 = tpu.memref_slice %arg3[%add3A, %dma_wait3A_69, %add3A_62, %dma_wait3A_70] : memref<16x1x512x512xi32, #tpu.memory_space<hbm>> -> memref<1x1x16x512xi32, #tpu.memory_space<hbm>>
    %dma_wait3A_72 = tpu.memref_squeeze %dma_wait3A_71 : memref<1x1x16x512xi32, #tpu.memory_space<hbm>> -> memref<16x512xi32, #tpu.memory_space<hbm>>
    %dma_wait3A_73 = arith.constant 0 : i32
    %dma_wait3A_74 = tpu.memref_slice %arg3[%add3A, %dma_wait3A_69, %add3A_62, %dma_wait3A_73] : memref<16x1x512x512xi32, #tpu.memory_space<hbm>> -> memref<1x1x16x512xi32, #tpu.memory_space<hbm>>
    %dma_wait3A_75 = tpu.memref_squeeze %dma_wait3A_74 : memref<1x1x16x512xi32, #tpu.memory_space<hbm>> -> memref<16x512xi32, #tpu.memory_space<hbm>>
    tpu.wait_dma2 semaphore(%arg10 : memref<!tpu.dma_semaphore, #tpu.memory_space<semaphore_mem>>) src(%dma_wait3A_75 : memref<16x512xi32, #tpu.memory_space<hbm>>) dst(%arg6 : memref<16x512xi32, #tpu.memory_space<vmem>>)
    %parallel_loop3A_76 = arith.constant 0 : i32
    %parallel_loop3A_77 = arith.constant 512 : i32
    %parallel_loop3A_78 = arith.constant 1 : i32
    scf.for %parallel_loop3A_114 = %parallel_loop3A_76 to %parallel_loop3A_77 step %parallel_loop3A_78  : i32 {
      %parallel_loop3A_115 = arith.constant 32 : i32
      %parallel_loop3A_116 = arith.divsi %parallel_loop3A_114, %parallel_loop3A_115 : i32
      %parallel_loop3A_117 = arith.constant 0 : i32
      %parallel_loop3A_118 = arith.cmpi sgt, %parallel_loop3A_114, %parallel_loop3A_117 : i32
      %parallel_loop3A_119 = arith.extui %parallel_loop3A_118 : i1 to i32
      %parallel_loop3A_120 = arith.constant 0 : i32
      %parallel_loop3A_121 = arith.cmpi slt, %parallel_loop3A_114, %parallel_loop3A_120 : i32
      %parallel_loop3A_122 = arith.extui %parallel_loop3A_121 : i1 to i32
      %parallel_loop3A_123 = arith.subi %parallel_loop3A_119, %parallel_loop3A_122 : i32
      %parallel_loop3A_124 = arith.constant 0 : i32
      %parallel_loop3A_125 = arith.cmpi sgt, %parallel_loop3A_115, %parallel_loop3A_124 : i32
      %parallel_loop3A_126 = arith.extui %parallel_loop3A_125 : i1 to i32
      %parallel_loop3A_127 = arith.constant 0 : i32
      %parallel_loop3A_128 = arith.cmpi slt, %parallel_loop3A_115, %parallel_loop3A_127 : i32
      %parallel_loop3A_129 = arith.extui %parallel_loop3A_128 : i1 to i32
      %parallel_loop3A_130 = arith.subi %parallel_loop3A_126, %parallel_loop3A_129 : i32
      %parallel_loop3A_131 = arith.cmpi ne, %parallel_loop3A_123, %parallel_loop3A_130 : i32
      %parallel_loop3A_132 = arith.remsi %parallel_loop3A_114, %parallel_loop3A_115 : i32
      %parallel_loop3A_133 = arith.constant 0 : i32
      %parallel_loop3A_134 = arith.cmpi ne, %parallel_loop3A_132, %parallel_loop3A_133 : i32
      %parallel_loop3A_135 = arith.andi %parallel_loop3A_131, %parallel_loop3A_134 : i1
      %parallel_loop3A_136 = arith.constant 1 : i32
      %parallel_loop3A_137 = arith.subi %parallel_loop3A_116, %parallel_loop3A_136 : i32
      %parallel_loop3A_138 = arith.select %parallel_loop3A_135, %parallel_loop3A_137, %parallel_loop3A_116 : i32
      %parallel_loop3A_139 = arith.constant 32 : i32
      %parallel_loop3A_140 = arith.constant 0 : i32
      %parallel_loop3A_141 = arith.cmpi eq, %parallel_loop3A_139, %parallel_loop3A_140 : i32
      %parallel_loop3A_142 = arith.constant 1 : i32
      %parallel_loop3A_143 = arith.select %parallel_loop3A_141, %parallel_loop3A_142, %parallel_loop3A_139 : i32
      %parallel_loop3A_144 = arith.remsi %parallel_loop3A_114, %parallel_loop3A_143 : i32
      %parallel_loop3A_145 = arith.constant 0 : i32
      %parallel_loop3A_146 = arith.cmpi ne, %parallel_loop3A_144, %parallel_loop3A_145 : i32
      %parallel_loop3A_147 = arith.constant 0 : i32
      %parallel_loop3A_148 = arith.cmpi slt, %parallel_loop3A_144, %parallel_loop3A_147 : i32
      %parallel_loop3A_149 = arith.constant 0 : i32
      %parallel_loop3A_150 = arith.cmpi slt, %parallel_loop3A_143, %parallel_loop3A_149 : i32
      %parallel_loop3A_151 = arith.xori %parallel_loop3A_148, %parallel_loop3A_150 : i1
      %parallel_loop3A_152 = arith.andi %parallel_loop3A_151, %parallel_loop3A_146 : i1
      %parallel_loop3A_153 = arith.addi %parallel_loop3A_144, %parallel_loop3A_143 : i32
      %parallel_loop3A_154 = arith.select %parallel_loop3A_152, %parallel_loop3A_153, %parallel_loop3A_144 : i32
      %parallel_loop3A_155 = arith.constant 16 : i32
      %parallel_loop3A_156 = arith.muli %parallel_loop3A_154, %parallel_loop3A_155 : i32
      %parallel_loop3A_157 = arith.index_cast %parallel_loop3A_138 : i32 to index
      %parallel_loop3A_158 = arith.index_cast %parallel_loop3A_156 : i32 to index
      %parallel_loop3A_159 = tpu.vector_load %arg5[%parallel_loop3A_157, %parallel_loop3A_158] {strides = array<i32>} : memref<16x512xf32, #tpu.memory_space<vmem>>, vector<16xf32>,
      %parallel_loop3A_160 = arith.index_cast %parallel_loop3A_138 : i32 to index
      %parallel_loop3A_161 = arith.index_cast %parallel_loop3A_156 : i32 to index
      %parallel_loop3A_162 = tpu.vector_load %arg6[%parallel_loop3A_160, %parallel_loop3A_161] {strides = array<i32>} : memref<16x512xi32, #tpu.memory_space<vmem>>, vector<16xi32>,
      %parallel_loop3A_163 = arith.sitofp %parallel_loop3A_162 : vector<16xi32> to vector<16xf32>
      %parallel_loop3A_164 = arith.constant 2.000000e+00 : f32
      %parallel_loop3A_165 = vector.broadcast %parallel_loop3A_164 : f32 to vector<16xf32>
      %parallel_loop3A_166 = arith.mulf %parallel_loop3A_165, %parallel_loop3A_163 : vector<16xf32>
      %parallel_loop3A_167 = arith.constant 1.000000e+00 : f32
      %parallel_loop3A_168 = vector.broadcast %parallel_loop3A_167 : f32 to vector<16xf32>
      %parallel_loop3A_169 = arith.subf %parallel_loop3A_166, %parallel_loop3A_168 : vector<16xf32>
      %parallel_loop3A_170 = arith.constant 8.192000e+02 : f32
      %parallel_loop3A_171 = vector.broadcast %parallel_loop3A_170 : f32 to vector<16xf32>
      %parallel_loop3A_172 = arith.mulf %parallel_loop3A_159, %parallel_loop3A_171 : vector<16xf32>
      %parallel_loop3A_173 = arith.mulf %parallel_loop3A_172, %parallel_loop3A_169 : vector<16xf32>
      %parallel_loop3A_174 = arith.constant 8.192000e+03 : f32
      %parallel_loop3A_175 = vector.broadcast %parallel_loop3A_174 : f32 to vector<16xf32>
      %parallel_loop3A_176 = arith.addf %parallel_loop3A_173, %parallel_loop3A_175 : vector<16xf32>
      %parallel_loop3A_177 = arith.constant 0.000000e+00 : f32
      %parallel_loop3A_178 = vector.broadcast %parallel_loop3A_177 : f32 to vector<16xf32>
      %parallel_loop3A_179 = arith.maximumf %parallel_loop3A_176, %parallel_loop3A_178 : vector<16xf32>
      %parallel_loop3A_180 = arith.constant 1.638300e+04 : f32
      %parallel_loop3A_181 = vector.broadcast %parallel_loop3A_180 : f32 to vector<16xf32>
      %parallel_loop3A_182 = arith.minimumf %parallel_loop3A_179, %parallel_loop3A_181 : vector<16xf32>
      %parallel_loop3A_183 = arith.constant 1.638400e+04 : f32
      %parallel_loop3A_184 = vector.broadcast %parallel_loop3A_183 : f32 to vector<16xf32>
      %parallel_loop3A_185 = arith.mulf %parallel_loop3A_163, %parallel_loop3A_184 : vector<16xf32>
      %parallel_loop3A_186 = arith.addf %parallel_loop3A_182, %parallel_loop3A_185 : vector<16xf32>
      %parallel_loop3A_187 = arith.fptosi %parallel_loop3A_186 : vector<16xf32> to vector<16xi32>
      tpu.vector_store_idx %arg9[%parallel_loop3A_187], %broadcast_in_dim3A_20 {add = true} : memref<32768xi32, #tpu.memory_space<vmem>>[vector<16xi32>], vector<16xi32>,
    } {sc.loop_unroll_factor = 8 : i64, sc.parallel_access}
    %add3A_79 = arith.constant 240 : i32
    %add3A_80 = arith.addi %mul3A_23, %add3A_79 : i32
    %dma_wait3A_81 = arith.constant 0 : i32
    %dma_wait3A_82 = arith.constant 0 : i32
    %dma_wait3A_83 = tpu.memref_slice %arg2[%add3A, %dma_wait3A_81, %add3A_80, %dma_wait3A_82] : memref<16x1x512x512xf32, #tpu.memory_space<hbm>> -> memref<1x1x16x512xf32, #tpu.memory_space<hbm>>
    %dma_wait3A_84 = tpu.memref_squeeze %dma_wait3A_83 : memref<1x1x16x512xf32, #tpu.memory_space<hbm>> -> memref<16x512xf32, #tpu.memory_space<hbm>>
    %dma_wait3A_85 = arith.constant 0 : i32
    %dma_wait3A_86 = tpu.memref_slice %arg2[%add3A, %dma_wait3A_81, %add3A_80, %dma_wait3A_85] : memref<16x1x512x512xf32, #tpu.memory_space<hbm>> -> memref<1x1x16x512xf32, #tpu.memory_space<hbm>>
    %dma_wait3A_87 = tpu.memref_squeeze %dma_wait3A_86 : memref<1x1x16x512xf32, #tpu.memory_space<hbm>> -> memref<16x512xf32, #tpu.memory_space<hbm>>
    tpu.wait_dma2 semaphore(%arg11 : memref<!tpu.dma_semaphore, #tpu.memory_space<semaphore_mem>>) src(%dma_wait3A_87 : memref<16x512xf32, #tpu.memory_space<hbm>>) dst(%arg7 : memref<16x512xf32, #tpu.memory_space<vmem>>)
    %dma_wait3A_88 = arith.constant 0 : i32
    %dma_wait3A_89 = arith.constant 0 : i32
    %dma_wait3A_90 = tpu.memref_slice %arg3[%add3A, %dma_wait3A_88, %add3A_80, %dma_wait3A_89] : memref<16x1x512x512xi32, #tpu.memory_space<hbm>> -> memref<1x1x16x512xi32, #tpu.memory_space<hbm>>
    %dma_wait3A_91 = tpu.memref_squeeze %dma_wait3A_90 : memref<1x1x16x512xi32, #tpu.memory_space<hbm>> -> memref<16x512xi32, #tpu.memory_space<hbm>>
    %dma_wait3A_92 = arith.constant 0 : i32
    %dma_wait3A_93 = tpu.memref_slice %arg3[%add3A, %dma_wait3A_88, %add3A_80, %dma_wait3A_92] : memref<16x1x512x512xi32, #tpu.memory_space<hbm>> -> memref<1x1x16x512xi32, #tpu.memory_space<hbm>>
    %dma_wait3A_94 = tpu.memref_squeeze %dma_wait3A_93 : memref<1x1x16x512xi32, #tpu.memory_space<hbm>> -> memref<16x512xi32, #tpu.memory_space<hbm>>
    tpu.wait_dma2 semaphore(%arg11 : memref<!tpu.dma_semaphore, #tpu.memory_space<semaphore_mem>>) src(%dma_wait3A_94 : memref<16x512xi32, #tpu.memory_space<hbm>>) dst(%arg8 : memref<16x512xi32, #tpu.memory_space<vmem>>)
    %parallel_loop3A_95 = arith.constant 0 : i32
    %parallel_loop3A_96 = arith.constant 512 : i32
    %parallel_loop3A_97 = arith.constant 1 : i32
    scf.for %parallel_loop3A_114 = %parallel_loop3A_95 to %parallel_loop3A_96 step %parallel_loop3A_97  : i32 {
      %parallel_loop3A_115 = arith.constant 32 : i32
      %parallel_loop3A_116 = arith.divsi %parallel_loop3A_114, %parallel_loop3A_115 : i32
      %parallel_loop3A_117 = arith.constant 0 : i32
      %parallel_loop3A_118 = arith.cmpi sgt, %parallel_loop3A_114, %parallel_loop3A_117 : i32
      %parallel_loop3A_119 = arith.extui %parallel_loop3A_118 : i1 to i32
      %parallel_loop3A_120 = arith.constant 0 : i32
      %parallel_loop3A_121 = arith.cmpi slt, %parallel_loop3A_114, %parallel_loop3A_120 : i32
      %parallel_loop3A_122 = arith.extui %parallel_loop3A_121 : i1 to i32
      %parallel_loop3A_123 = arith.subi %parallel_loop3A_119, %parallel_loop3A_122 : i32
      %parallel_loop3A_124 = arith.constant 0 : i32
      %parallel_loop3A_125 = arith.cmpi sgt, %parallel_loop3A_115, %parallel_loop3A_124 : i32
      %parallel_loop3A_126 = arith.extui %parallel_loop3A_125 : i1 to i32
      %parallel_loop3A_127 = arith.constant 0 : i32
      %parallel_loop3A_128 = arith.cmpi slt, %parallel_loop3A_115, %parallel_loop3A_127 : i32
      %parallel_loop3A_129 = arith.extui %parallel_loop3A_128 : i1 to i32
      %parallel_loop3A_130 = arith.subi %parallel_loop3A_126, %parallel_loop3A_129 : i32
      %parallel_loop3A_131 = arith.cmpi ne, %parallel_loop3A_123, %parallel_loop3A_130 : i32
      %parallel_loop3A_132 = arith.remsi %parallel_loop3A_114, %parallel_loop3A_115 : i32
      %parallel_loop3A_133 = arith.constant 0 : i32
      %parallel_loop3A_134 = arith.cmpi ne, %parallel_loop3A_132, %parallel_loop3A_133 : i32
      %parallel_loop3A_135 = arith.andi %parallel_loop3A_131, %parallel_loop3A_134 : i1
      %parallel_loop3A_136 = arith.constant 1 : i32
      %parallel_loop3A_137 = arith.subi %parallel_loop3A_116, %parallel_loop3A_136 : i32
      %parallel_loop3A_138 = arith.select %parallel_loop3A_135, %parallel_loop3A_137, %parallel_loop3A_116 : i32
      %parallel_loop3A_139 = arith.constant 32 : i32
      %parallel_loop3A_140 = arith.constant 0 : i32
      %parallel_loop3A_141 = arith.cmpi eq, %parallel_loop3A_139, %parallel_loop3A_140 : i32
      %parallel_loop3A_142 = arith.constant 1 : i32
      %parallel_loop3A_143 = arith.select %parallel_loop3A_141, %parallel_loop3A_142, %parallel_loop3A_139 : i32
      %parallel_loop3A_144 = arith.remsi %parallel_loop3A_114, %parallel_loop3A_143 : i32
      %parallel_loop3A_145 = arith.constant 0 : i32
      %parallel_loop3A_146 = arith.cmpi ne, %parallel_loop3A_144, %parallel_loop3A_145 : i32
      %parallel_loop3A_147 = arith.constant 0 : i32
      %parallel_loop3A_148 = arith.cmpi slt, %parallel_loop3A_144, %parallel_loop3A_147 : i32
      %parallel_loop3A_149 = arith.constant 0 : i32
      %parallel_loop3A_150 = arith.cmpi slt, %parallel_loop3A_143, %parallel_loop3A_149 : i32
      %parallel_loop3A_151 = arith.xori %parallel_loop3A_148, %parallel_loop3A_150 : i1
      %parallel_loop3A_152 = arith.andi %parallel_loop3A_151, %parallel_loop3A_146 : i1
      %parallel_loop3A_153 = arith.addi %parallel_loop3A_144, %parallel_loop3A_143 : i32
      %parallel_loop3A_154 = arith.select %parallel_loop3A_152, %parallel_loop3A_153, %parallel_loop3A_144 : i32
      %parallel_loop3A_155 = arith.constant 16 : i32
      %parallel_loop3A_156 = arith.muli %parallel_loop3A_154, %parallel_loop3A_155 : i32
      %parallel_loop3A_157 = arith.index_cast %parallel_loop3A_138 : i32 to index
      %parallel_loop3A_158 = arith.index_cast %parallel_loop3A_156 : i32 to index
      %parallel_loop3A_159 = tpu.vector_load %arg7[%parallel_loop3A_157, %parallel_loop3A_158] {strides = array<i32>} : memref<16x512xf32, #tpu.memory_space<vmem>>, vector<16xf32>,
      %parallel_loop3A_160 = arith.index_cast %parallel_loop3A_138 : i32 to index
      %parallel_loop3A_161 = arith.index_cast %parallel_loop3A_156 : i32 to index
      %parallel_loop3A_162 = tpu.vector_load %arg8[%parallel_loop3A_160, %parallel_loop3A_161] {strides = array<i32>} : memref<16x512xi32, #tpu.memory_space<vmem>>, vector<16xi32>,
      %parallel_loop3A_163 = arith.sitofp %parallel_loop3A_162 : vector<16xi32> to vector<16xf32>
      %parallel_loop3A_164 = arith.constant 2.000000e+00 : f32
      %parallel_loop3A_165 = vector.broadcast %parallel_loop3A_164 : f32 to vector<16xf32>
      %parallel_loop3A_166 = arith.mulf %parallel_loop3A_165, %parallel_loop3A_163 : vector<16xf32>
      %parallel_loop3A_167 = arith.constant 1.000000e+00 : f32
      %parallel_loop3A_168 = vector.broadcast %parallel_loop3A_167 : f32 to vector<16xf32>
      %parallel_loop3A_169 = arith.subf %parallel_loop3A_166, %parallel_loop3A_168 : vector<16xf32>
      %parallel_loop3A_170 = arith.constant 8.192000e+02 : f32
      %parallel_loop3A_171 = vector.broadcast %parallel_loop3A_170 : f32 to vector<16xf32>
      %parallel_loop3A_172 = arith.mulf %parallel_loop3A_159, %parallel_loop3A_171 : vector<16xf32>
      %parallel_loop3A_173 = arith.mulf %parallel_loop3A_172, %parallel_loop3A_169 : vector<16xf32>
      %parallel_loop3A_174 = arith.constant 8.192000e+03 : f32
      %parallel_loop3A_175 = vector.broadcast %parallel_loop3A_174 : f32 to vector<16xf32>
      %parallel_loop3A_176 = arith.addf %parallel_loop3A_173, %parallel_loop3A_175 : vector<16xf32>
      %parallel_loop3A_177 = arith.constant 0.000000e+00 : f32
      %parallel_loop3A_178 = vector.broadcast %parallel_loop3A_177 : f32 to vector<16xf32>
      %parallel_loop3A_179 = arith.maximumf %parallel_loop3A_176, %parallel_loop3A_178 : vector<16xf32>
      %parallel_loop3A_180 = arith.constant 1.638300e+04 : f32
      %parallel_loop3A_181 = vector.broadcast %parallel_loop3A_180 : f32 to vector<16xf32>
      %parallel_loop3A_182 = arith.minimumf %parallel_loop3A_179, %parallel_loop3A_181 : vector<16xf32>
      %parallel_loop3A_183 = arith.constant 1.638400e+04 : f32
      %parallel_loop3A_184 = vector.broadcast %parallel_loop3A_183 : f32 to vector<16xf32>
      %parallel_loop3A_185 = arith.mulf %parallel_loop3A_163, %parallel_loop3A_184 : vector<16xf32>
      %parallel_loop3A_186 = arith.addf %parallel_loop3A_182, %parallel_loop3A_185 : vector<16xf32>
      %parallel_loop3A_187 = arith.fptosi %parallel_loop3A_186 : vector<16xf32> to vector<16xi32>
      tpu.vector_store_idx %arg9[%parallel_loop3A_187], %broadcast_in_dim3A_20 {add = true} : memref<32768xi32, #tpu.memory_space<vmem>>[vector<16xi32>], vector<16xi32>,
    } {sc.loop_unroll_factor = 8 : i64, sc.parallel_access}
    %mul3A_98 = arith.constant 8 : i32
    %mul3A_99 = arith.muli %arg0, %mul3A_98 : i32
    %add3A_100 = arith.addi %mul3A_99, %rem3A_0 : i32
    %mul3A_101 = arith.constant 2 : i32
    %mul3A_102 = arith.muli %add3A_100, %mul3A_101 : i32
    %add3A_103 = arith.addi %mul3A_102, %select_n3A : i32
    %mul3A_104 = arith.constant 32768 : i32
    %mul3A_105 = arith.muli %add3A_103, %mul3A_104 : i32
    %add3A_106 = arith.constant 0 : i32
    %add3A_107 = arith.addi %mul3A_105, %add3A_106 : i32
    "tpu.region"() ({
      %run_scoped3A = tpu.sem_alloc : memref<!tpu.dma_semaphore, #tpu.memory_space<semaphore_mem>>
      %dma_start3A_114 = arith.constant 0 : i32
      %dma_start3A_115 = tpu.memref_slice %arg9[%dma_start3A_114] : memref<32768xi32, #tpu.memory_space<vmem>> -> memref<8192xi32, #tpu.memory_space<vmem>>
      %dma_start3A_116 = tpu.memref_slice %arg4[%add3A_107] : memref<1048576xi32, #tpu.memory_space<hbm>> -> memref<8192xi32, #tpu.memory_space<hbm>>
      %dma_start3A_117 = tpu.memref_slice %arg4[%add3A_107] : memref<1048576xi32, #tpu.memory_space<hbm>> -> memref<8192xi32, #tpu.memory_space<hbm>>
      %dma_start3A_118 = arith.constant 0 : i32
      %dma_start3A_119 = tpu.memref_slice %arg9[%dma_start3A_118] : memref<32768xi32, #tpu.memory_space<vmem>> -> memref<8192xi32, #tpu.memory_space<vmem>>
      tpu.enqueue_dma source(%dma_start3A_119 : memref<8192xi32, #tpu.memory_space<vmem>>) target(%dma_start3A_117 : memref<8192xi32, #tpu.memory_space<hbm>>) target_semaphore(%run_scoped3A : memref<!tpu.dma_semaphore, #tpu.memory_space<semaphore_mem>>)
      %dma_wait3A_120 = arith.constant 0 : i32
      %dma_wait3A_121 = tpu.memref_slice %arg9[%dma_wait3A_120] : memref<32768xi32, #tpu.memory_space<vmem>> -> memref<8192xi32, #tpu.memory_space<vmem>>
      %dma_wait3A_122 = tpu.memref_slice %arg4[%add3A_107] : memref<1048576xi32, #tpu.memory_space<hbm>> -> memref<8192xi32, #tpu.memory_space<hbm>>
      %dma_wait3A_123 = tpu.memref_slice %arg4[%add3A_107] : memref<1048576xi32, #tpu.memory_space<hbm>> -> memref<8192xi32, #tpu.memory_space<hbm>>
      %dma_wait3A_124 = arith.constant 0 : i32
      %dma_wait3A_125 = tpu.memref_slice %arg9[%dma_wait3A_124] : memref<32768xi32, #tpu.memory_space<vmem>> -> memref<8192xi32, #tpu.memory_space<vmem>>
      tpu.wait_dma2 semaphore(%run_scoped3A : memref<!tpu.dma_semaphore, #tpu.memory_space<semaphore_mem>>) src(%dma_wait3A_125 : memref<8192xi32, #tpu.memory_space<vmem>>) dst(%dma_wait3A_123 : memref<8192xi32, #tpu.memory_space<hbm>>)
      tpu.yield
    }) : () -> ()
    %add3A_108 = arith.constant 8192 : i32
    %add3A_109 = arith.addi %mul3A_105, %add3A_108 : i32
    "tpu.region"() ({
      %run_scoped3A = tpu.sem_alloc : memref<!tpu.dma_semaphore, #tpu.memory_space<semaphore_mem>>
      %dma_start3A_114 = arith.constant 8192 : i32
      %dma_start3A_115 = tpu.memref_slice %arg9[%dma_start3A_114] : memref<32768xi32, #tpu.memory_space<vmem>> -> memref<8192xi32, #tpu.memory_space<vmem>>
      %dma_start3A_116 = tpu.memref_slice %arg4[%add3A_109] : memref<1048576xi32, #tpu.memory_space<hbm>> -> memref<8192xi32, #tpu.memory_space<hbm>>
      %dma_start3A_117 = tpu.memref_slice %arg4[%add3A_109] : memref<1048576xi32, #tpu.memory_space<hbm>> -> memref<8192xi32, #tpu.memory_space<hbm>>
      %dma_start3A_118 = arith.constant 8192 : i32
      %dma_start3A_119 = tpu.memref_slice %arg9[%dma_start3A_118] : memref<32768xi32, #tpu.memory_space<vmem>> -> memref<8192xi32, #tpu.memory_space<vmem>>
      tpu.enqueue_dma source(%dma_start3A_119 : memref<8192xi32, #tpu.memory_space<vmem>>) target(%dma_start3A_117 : memref<8192xi32, #tpu.memory_space<hbm>>) target_semaphore(%run_scoped3A : memref<!tpu.dma_semaphore, #tpu.memory_space<semaphore_mem>>)
      %dma_wait3A_120 = arith.constant 8192 : i32
      %dma_wait3A_121 = tpu.memref_slice %arg9[%dma_wait3A_120] : memref<32768xi32, #tpu.memory_space<vmem>> -> memref<8192xi32, #tpu.memory_space<vmem>>
      %dma_wait3A_122 = tpu.memref_slice %arg4[%add3A_109] : memref<1048576xi32, #tpu.memory_space<hbm>> -> memref<8192xi32, #tpu.memory_space<hbm>>
      %dma_wait3A_123 = tpu.memref_slice %arg4[%add3A_109] : memref<1048576xi32, #tpu.memory_space<hbm>> -> memref<8192xi32, #tpu.memory_space<hbm>>
      %dma_wait3A_124 = arith.constant 8192 : i32
      %dma_wait3A_125 = tpu.memref_slice %arg9[%dma_wait3A_124] : memref<32768xi32, #tpu.memory_space<vmem>> -> memref<8192xi32, #tpu.memory_space<vmem>>
      tpu.wait_dma2 semaphore(%run_scoped3A : memref<!tpu.dma_semaphore, #tpu.memory_space<semaphore_mem>>) src(%dma_wait3A_125 : memref<8192xi32, #tpu.memory_space<vmem>>) dst(%dma_wait3A_123 : memref<8192xi32, #tpu.memory_space<hbm>>)
      tpu.yield
    }) : () -> ()
    %add3A_110 = arith.constant 16384 : i32
    %add3A_111 = arith.addi %mul3A_105, %add3A_110 : i32
    "tpu.region"() ({
      %run_scoped3A = tpu.sem_alloc : memref<!tpu.dma_semaphore, #tpu.memory_space<semaphore_mem>>
      %dma_start3A_114 = arith.constant 16384 : i32
      %dma_start3A_115 = tpu.memref_slice %arg9[%dma_start3A_114] : memref<32768xi32, #tpu.memory_space<vmem>> -> memref<8192xi32, #tpu.memory_space<vmem>>
      %dma_start3A_116 = tpu.memref_slice %arg4[%add3A_111] : memref<1048576xi32, #tpu.memory_space<hbm>> -> memref<8192xi32, #tpu.memory_space<hbm>>
      %dma_start3A_117 = tpu.memref_slice %arg4[%add3A_111] : memref<1048576xi32, #tpu.memory_space<hbm>> -> memref<8192xi32, #tpu.memory_space<hbm>>
      %dma_start3A_118 = arith.constant 16384 : i32
      %dma_start3A_119 = tpu.memref_slice %arg9[%dma_start3A_118] : memref<32768xi32, #tpu.memory_space<vmem>> -> memref<8192xi32, #tpu.memory_space<vmem>>
      tpu.enqueue_dma source(%dma_start3A_119 : memref<8192xi32, #tpu.memory_space<vmem>>) target(%dma_start3A_117 : memref<8192xi32, #tpu.memory_space<hbm>>) target_semaphore(%run_scoped3A : memref<!tpu.dma_semaphore, #tpu.memory_space<semaphore_mem>>)
      %dma_wait3A_120 = arith.constant 16384 : i32
      %dma_wait3A_121 = tpu.memref_slice %arg9[%dma_wait3A_120] : memref<32768xi32, #tpu.memory_space<vmem>> -> memref<8192xi32, #tpu.memory_space<vmem>>
      %dma_wait3A_122 = tpu.memref_slice %arg4[%add3A_111] : memref<1048576xi32, #tpu.memory_space<hbm>> -> memref<8192xi32, #tpu.memory_space<hbm>>
      %dma_wait3A_123 = tpu.memref_slice %arg4[%add3A_111] : memref<1048576xi32, #tpu.memory_space<hbm>> -> memref<8192xi32, #tpu.memory_space<hbm>>
      %dma_wait3A_124 = arith.constant 16384 : i32
      %dma_wait3A_125 = tpu.memref_slice %arg9[%dma_wait3A_124] : memref<32768xi32, #tpu.memory_space<vmem>> -> memref<8192xi32, #tpu.memory_space<vmem>>
      tpu.wait_dma2 semaphore(%run_scoped3A : memref<!tpu.dma_semaphore, #tpu.memory_space<semaphore_mem>>) src(%dma_wait3A_125 : memref<8192xi32, #tpu.memory_space<vmem>>) dst(%dma_wait3A_123 : memref<8192xi32, #tpu.memory_space<hbm>>)
      tpu.yield
    }) : () -> ()
    %add3A_112 = arith.constant 24576 : i32
    %add3A_113 = arith.addi %mul3A_105, %add3A_112 : i32
    "tpu.region"() ({
      %run_scoped3A = tpu.sem_alloc : memref<!tpu.dma_semaphore, #tpu.memory_space<semaphore_mem>>
      %dma_start3A_114 = arith.constant 24576 : i32
      %dma_start3A_115 = tpu.memref_slice %arg9[%dma_start3A_114] : memref<32768xi32, #tpu.memory_space<vmem>> -> memref<8192xi32, #tpu.memory_space<vmem>>
      %dma_start3A_116 = tpu.memref_slice %arg4[%add3A_113] : memref<1048576xi32, #tpu.memory_space<hbm>> -> memref<8192xi32, #tpu.memory_space<hbm>>
      %dma_start3A_117 = tpu.memref_slice %arg4[%add3A_113] : memref<1048576xi32, #tpu.memory_space<hbm>> -> memref<8192xi32, #tpu.memory_space<hbm>>
      %dma_start3A_118 = arith.constant 24576 : i32
      %dma_start3A_119 = tpu.memref_slice %arg9[%dma_start3A_118] : memref<32768xi32, #tpu.memory_space<vmem>> -> memref<8192xi32, #tpu.memory_space<vmem>>
      tpu.enqueue_dma source(%dma_start3A_119 : memref<8192xi32, #tpu.memory_space<vmem>>) target(%dma_start3A_117 : memref<8192xi32, #tpu.memory_space<hbm>>) target_semaphore(%run_scoped3A : memref<!tpu.dma_semaphore, #tpu.memory_space<semaphore_mem>>)
      %dma_wait3A_120 = arith.constant 24576 : i32
      %dma_wait3A_121 = tpu.memref_slice %arg9[%dma_wait3A_120] : memref<32768xi32, #tpu.memory_space<vmem>> -> memref<8192xi32, #tpu.memory_space<vmem>>
      %dma_wait3A_122 = tpu.memref_slice %arg4[%add3A_113] : memref<1048576xi32, #tpu.memory_space<hbm>> -> memref<8192xi32, #tpu.memory_space<hbm>>
      %dma_wait3A_123 = tpu.memref_slice %arg4[%add3A_113] : memref<1048576xi32, #tpu.memory_space<hbm>> -> memref<8192xi32, #tpu.memory_space<hbm>>
      %dma_wait3A_124 = arith.constant 24576 : i32
      %dma_wait3A_125 = tpu.memref_slice %arg9[%dma_wait3A_124] : memref<32768xi32, #tpu.memory_space<vmem>> -> memref<8192xi32, #tpu.memory_space<vmem>>
      tpu.wait_dma2 semaphore(%run_scoped3A : memref<!tpu.dma_semaphore, #tpu.memory_space<semaphore_mem>>) src(%dma_wait3A_125 : memref<8192xi32, #tpu.memory_space<vmem>>) dst(%dma_wait3A_123 : memref<8192xi32, #tpu.memory_space<hbm>>)
      tpu.yield
    }) : () -> ()
    return
  }
}

module attributes {stable_mosaic.version = 14 : i64} {
  func.func @_tc_body(%arg0: memref<8192x128xi32, #tpu.memory_space<vmem>>, %arg1: memref<1x1xf32, #tpu.memory_space<vmem>>) attributes {dimension_semantics = [], scalar_prefetch = 0 : i64, scratch_operands = 0 : i64, tpu.core_type = #tpu.core_type<tc>} {
    %get3A = arith.constant 0 : index
    %get3A_0 = arith.constant 0 : index
    %get3A_1 = vector.load %arg0[%get3A, %get3A_0] : memref<8192x128xi32, #tpu.memory_space<vmem>>, vector<8192x128xi32>
    %convert_element_type3A = arith.sitofp %get3A_1 : vector<8192x128xi32> to vector<8192x128xf32>
    %reshape3A = vector.shape_cast %convert_element_type3A : vector<8192x128xf32> to vector<16x4x128x128xf32>
    %slice3A = vector.extract_strided_slice %reshape3A {offsets = [0, 0, 0, 0], sizes = [16, 1, 128, 128], strides = [1, 1, 1, 1]} : vector<16x4x128x128xf32> to vector<16x1x128x128xf32>
    %squeeze3A = vector.shape_cast %slice3A : vector<16x1x128x128xf32> to vector<16x128x128xf32>
    %slice3A_2 = vector.extract_strided_slice %reshape3A {offsets = [0, 2, 0, 0], sizes = [16, 1, 128, 128], strides = [1, 1, 1, 1]} : vector<16x4x128x128xf32> to vector<16x1x128x128xf32>
    %squeeze3A_3 = vector.shape_cast %slice3A_2 : vector<16x1x128x128xf32> to vector<16x128x128xf32>
    %add3A = arith.addf %squeeze3A, %squeeze3A_3 : vector<16x128x128xf32>
    %slice3A_4 = vector.extract_strided_slice %reshape3A {offsets = [0, 1, 0, 0], sizes = [16, 1, 128, 128], strides = [1, 1, 1, 1]} : vector<16x4x128x128xf32> to vector<16x1x128x128xf32>
    %squeeze3A_5 = vector.shape_cast %slice3A_4 : vector<16x1x128x128xf32> to vector<16x128x128xf32>
    %slice3A_6 = vector.extract_strided_slice %reshape3A {offsets = [0, 3, 0, 0], sizes = [16, 1, 128, 128], strides = [1, 1, 1, 1]} : vector<16x4x128x128xf32> to vector<16x1x128x128xf32>
    %squeeze3A_7 = vector.shape_cast %slice3A_6 : vector<16x1x128x128xf32> to vector<16x128x128xf32>
    %add3A_8 = arith.addf %squeeze3A_5, %squeeze3A_7 : vector<16x128x128xf32>
    %add3A_9 = arith.addf %add3A, %add3A_8 : vector<16x128x128xf32>
    %reshape3A_10 = vector.shape_cast %add3A_9 : vector<16x128x128xf32> to vector<2048x128xf32>
    %reshape3A_11 = vector.shape_cast %add3A_8 : vector<16x128x128xf32> to vector<2048x128xf32>
    %iota3A = tpu.iota {dimensions = array<i32: 0>} : vector<128x128xi32>
    %iota3A_12 = tpu.iota {dimensions = array<i32: 1>} : vector<128x128xi32>
    %le3A = arith.cmpi sle, %iota3A, %iota3A_12 : vector<128x128xi32>
    %convert_element_type3A_13 = arith.extui %le3A : vector<128x128xi1> to vector<128x128xi32>
    %convert_element_type3A_14 = arith.sitofp %convert_element_type3A_13 : vector<128x128xi32> to vector<128x128xf32>
    %iota3A_15 = tpu.iota {dimensions = array<i32: 0>} : vector<128x128xi32>
    %iota3A_16 = tpu.iota {dimensions = array<i32: 1>} : vector<128x128xi32>
    %lt3A = arith.cmpi slt, %iota3A_15, %iota3A_16 : vector<128x128xi32>
    %convert_element_type3A_17 = arith.extui %lt3A : vector<128x128xi1> to vector<128x128xi32>
    %convert_element_type3A_18 = arith.sitofp %convert_element_type3A_17 : vector<128x128xi32> to vector<128x128xf32>
    %dot_general3A = arith.constant dense<0.000000e+00> : vector<2048x128xf32>
    %dot_general3A_19 = tpu.matmul %reshape3A_10, %convert_element_type3A_14, %dot_general3A {dimension_numbers = #tpu.dot_dimension_numbers<[1], [0], [0], [1], [0, 0, 1, 1], [], []>, precision = #tpu.contract_precision<fp32>, transpose_lhs_hint = false} : vector<2048x128xf32>, vector<128x128xf32>, vector<2048x128xf32> -> vector<2048x128xf32>
    %reshape3A_20 = vector.shape_cast %dot_general3A_19 : vector<2048x128xf32> to vector<16x128x128xf32>
    %dot_general3A_21 = arith.constant dense<0.000000e+00> : vector<2048x128xf32>
    %dot_general3A_22 = tpu.matmul %reshape3A_11, %convert_element_type3A_14, %dot_general3A_21 {dimension_numbers = #tpu.dot_dimension_numbers<[1], [0], [0], [1], [0, 0, 1, 1], [], []>, precision = #tpu.contract_precision<fp32>, transpose_lhs_hint = false} : vector<2048x128xf32>, vector<128x128xf32>, vector<2048x128xf32> -> vector<2048x128xf32>
    %reshape3A_23 = vector.shape_cast %dot_general3A_22 : vector<2048x128xf32> to vector<16x128x128xf32>
    %reduce_sum3A = arith.constant dense<0.000000e+00> : vector<2048xf32>
    %reduce_sum3A_24 = vector.multi_reduction <add>, %reshape3A_10, %reduce_sum3A [1] : vector<2048x128xf32> to vector<2048xf32>
    %reshape3A_25 = vector.shape_cast %reduce_sum3A_24 : vector<2048xf32> to vector<16x128xf32>
    %reduce_sum3A_26 = arith.constant dense<0.000000e+00> : vector<2048xf32>
    %reduce_sum3A_27 = vector.multi_reduction <add>, %reshape3A_11, %reduce_sum3A_26 [1] : vector<2048x128xf32> to vector<2048xf32>
    %reshape3A_28 = vector.shape_cast %reduce_sum3A_27 : vector<2048xf32> to vector<16x128xf32>
    %dot_general3A_29 = arith.constant dense<0.000000e+00> : vector<16x128xf32>
    %dot_general3A_30 = tpu.matmul %reshape3A_25, %convert_element_type3A_18, %dot_general3A_29 {dimension_numbers = #tpu.dot_dimension_numbers<[1], [0], [0], [1], [0, 0, 1, 1], [], []>, precision = #tpu.contract_precision<fp32>, transpose_lhs_hint = false} : vector<16x128xf32>, vector<128x128xf32>, vector<16x128xf32> -> vector<16x128xf32>
    %dot_general3A_31 = arith.constant dense<0.000000e+00> : vector<16x128xf32>
    %dot_general3A_32 = tpu.matmul %reshape3A_28, %convert_element_type3A_18, %dot_general3A_31 {dimension_numbers = #tpu.dot_dimension_numbers<[1], [0], [0], [1], [0, 0, 1, 1], [], []>, precision = #tpu.contract_precision<fp32>, transpose_lhs_hint = false} : vector<16x128xf32>, vector<128x128xf32>, vector<16x128xf32> -> vector<16x128xf32>
    %broadcast_in_dim3A = vector.shape_cast %dot_general3A_30 : vector<16x128xf32> to vector<16x128x1xf32>
    %add3A_33 = vector.broadcast %broadcast_in_dim3A : vector<16x128x1xf32> to vector<16x128x128xf32>
    %add3A_34 = arith.addf %reshape3A_20, %add3A_33 : vector<16x128x128xf32>
    %broadcast_in_dim3A_35 = vector.shape_cast %dot_general3A_32 : vector<16x128xf32> to vector<16x128x1xf32>
    %add3A_36 = vector.broadcast %broadcast_in_dim3A_35 : vector<16x128x1xf32> to vector<16x128x128xf32>
    %add3A_37 = arith.addf %reshape3A_23, %add3A_36 : vector<16x128x128xf32>
    %reduce_sum3A_38 = arith.constant dense<0.000000e+00> : vector<16xf32>
    %reduce_sum3A_39 = vector.multi_reduction <add>, %reshape3A_28, %reduce_sum3A_38 [1] : vector<16x128xf32> to vector<16xf32>
    %broadcast_in_dim3A_40 = vector.shape_cast %reduce_sum3A_39 : vector<16xf32> to vector<16x1x1xf32>
    %add3A_41 = vector.broadcast %broadcast_in_dim3A_40 : vector<16x1x1xf32> to vector<16x128x128xf32>
    %add3A_42 = arith.addf %add3A_41, %add3A_34 : vector<16x128x128xf32>
    %sub3A = arith.subf %add3A_42, %add3A_37 : vector<16x128x128xf32>
    %max3A = arith.constant 1.000000e+00 : f32
    %max3A_43 = vector.broadcast %max3A : f32 to vector<16x128x128xf32>
    %max3A_44 = arith.maximumf %sub3A, %max3A_43 : vector<16x128x128xf32>
    %lt3A_45 = arith.constant 5.000000e-01 : f32
    %lt3A_46 = vector.broadcast %lt3A_45 : f32 to vector<16x128x128xf32>
    %lt3A_47 = arith.cmpf olt, %add3A_34, %lt3A_46 : vector<16x128x128xf32>
    %sub3A_48 = vector.broadcast %broadcast_in_dim3A_40 : vector<16x1x1xf32> to vector<16x128x128xf32>
    %sub3A_49 = arith.subf %sub3A_48, %add3A_37 : vector<16x128x128xf32>
    %div3A = arith.divf %sub3A_49, %max3A_44 : vector<16x128x128xf32>
    %sub3A_50 = arith.constant 1.000000e+00 : f32
    %sub3A_51 = vector.broadcast %sub3A_50 : f32 to vector<16x128x128xf32>
    %sub3A_52 = arith.subf %sub3A_51, %div3A : vector<16x128x128xf32>
    %jit3A = arith.constant 0.000000e+00 : f32
    %broadcast_in_dim3A_53 = vector.broadcast %jit3A : f32 to vector<16x128x128xf32>
    %select_n3A = arith.select %lt3A_47, %broadcast_in_dim3A_53, %sub3A_52 : vector<16x128x128xi1>, vector<16x128x128xf32>
    %iota3A_54 = tpu.iota {dimensions = array<i32: 0>} : vector<128x128xi32>
    %iota3A_55 = tpu.iota {dimensions = array<i32: 1>} : vector<128x128xi32>
    %mul3A = arith.constant 128 : i32
    %mul3A_56 = vector.broadcast %mul3A : i32 to vector<128x128xi32>
    %mul3A_57 = arith.muli %iota3A_54, %mul3A_56 : vector<128x128xi32>
    %add3A_58 = arith.addi %mul3A_57, %iota3A_55 : vector<128x128xi32>
    %convert_element_type3A_59 = arith.sitofp %add3A_58 : vector<128x128xi32> to vector<128x128xf32>
    %add3A_60 = arith.constant 5.000000e-01 : f32
    %add3A_61 = vector.broadcast %add3A_60 : f32 to vector<128x128xf32>
    %add3A_62 = arith.addf %convert_element_type3A_59, %add3A_61 : vector<128x128xf32>
    %mul3A_63 = arith.constant 0.00122070313 : f32
    %mul3A_64 = vector.broadcast %mul3A_63 : f32 to vector<128x128xf32>
    %mul3A_65 = arith.mulf %add3A_62, %mul3A_64 : vector<128x128xf32>
    %sub3A_66 = arith.constant 1.100000e+01 : f32
    %sub3A_67 = vector.broadcast %sub3A_66 : f32 to vector<128x128xf32>
    %sub3A_68 = arith.subf %sub3A_67, %mul3A_65 : vector<128x128xf32>
    %max3A_69 = arith.constant 0.000000e+00 : f32
    %max3A_70 = vector.broadcast %max3A_69 : f32 to vector<128x128xf32>
    %max3A_71 = arith.maximumf %sub3A_68, %max3A_70 : vector<128x128xf32>
    %add3A_72 = arith.constant 1.500000e+00 : f32
    %add3A_73 = vector.broadcast %add3A_72 : f32 to vector<128x128xf32>
    %add3A_74 = arith.addf %convert_element_type3A_59, %add3A_73 : vector<128x128xf32>
    %mul3A_75 = arith.constant 0.00122070313 : f32
    %mul3A_76 = vector.broadcast %mul3A_75 : f32 to vector<128x128xf32>
    %mul3A_77 = arith.mulf %add3A_74, %mul3A_76 : vector<128x128xf32>
    %sub3A_78 = arith.constant 1.100000e+01 : f32
    %sub3A_79 = vector.broadcast %sub3A_78 : f32 to vector<128x128xf32>
    %sub3A_80 = arith.subf %sub3A_79, %mul3A_77 : vector<128x128xf32>
    %max3A_81 = arith.constant 0.000000e+00 : f32
    %max3A_82 = vector.broadcast %max3A_81 : f32 to vector<128x128xf32>
    %max3A_83 = arith.maximumf %sub3A_80, %max3A_82 : vector<128x128xf32>
    %sub3A_84 = arith.subf %max3A_71, %max3A_83 : vector<128x128xf32>
    %broadcast_in_dim3A_85 = vector.shape_cast %sub3A_84 : vector<128x128xf32> to vector<1x128x128xf32>
    %mul3A_86 = vector.broadcast %broadcast_in_dim3A_85 : vector<1x128x128xf32> to vector<16x128x128xf32>
    %mul3A_87 = arith.mulf %mul3A_86, %select_n3A : vector<16x128x128xf32>
    %reduce_sum3A_88 = vector.shape_cast %mul3A_87 : vector<16x128x128xf32> to vector<1x16x128x128xf32>
    %reduce_sum3A_89 = arith.constant dense<0.000000e+00> : vector<1xf32>
    %reduce_sum3A_90 = vector.multi_reduction <add>, %reduce_sum3A_88, %reduce_sum3A_89 [1, 2, 3] : vector<1x16x128x128xf32> to vector<1xf32>
    %reduce_sum3A_91 = vector.shape_cast %reduce_sum3A_90 : vector<1xf32> to vector<1x1x1x1xf32>
    %reduce_sum3A_92 = vector.extract %reduce_sum3A_91[0, 0, 0, 0] : f32 from vector<1x1x1x1xf32>
    %reshape3A_93 = vector.broadcast %reduce_sum3A_92 : f32 to vector<1x1xf32>
    %mul3A_94 = arith.constant 6.250000e-02 : f32
    %mul3A_95 = vector.broadcast %mul3A_94 : f32 to vector<1x1xf32>
    %mul3A_96 = arith.mulf %reshape3A_93, %mul3A_95 : vector<1x1xf32>
    %swap3A = arith.constant 0 : index
    %swap3A_97 = arith.constant 0 : index
    %swap3A_98 = vector.load %arg1[%swap3A, %swap3A_97] : memref<1x1xf32, #tpu.memory_space<vmem>>, vector<1x1xf32>
    tpu.vector_store %arg1[%swap3A, %swap3A_97], %mul3A_96 {strides = array<i32>} : memref<1x1xf32, #tpu.memory_space<vmem>>, vector<1x1xf32>,
    return
  }
}

</mosaic_0001>

<sc_bundles>
// kernel: kernel.4.cloned.1.call-start
scs
__scs_entry_jumppad:
0x0: {  	(pc) =	sbr.rel $0x88, $3  }
0x1: {  	(tag) =	ssettag $0x0;
	lr =	simm.s32 $0x1  }
0x2: {  	[smem:$0x3F9F] =	sst lr;
	_ =	strace $0xD0000000  }
0x3: {  	_ = 	snop  }
0x4: {  	_ = 	snop  }
0x5: {  	_ = 	snop  }
0x6: {  	_ = 	snop  }
0x7: {  	_ = 	snop  }
__scs_overlays_trampoline_lowered:
0x8: {  	[smem:$0x3FAE] =	sst s0  }
0x9: {  	[smem:$0x3FAF] =	sst s1  }
0xa: {  	[smem:$0x3FB0] =	sst s2  }
0xb: {  	[smem:$0x3FB1] =	sst s3  }
0xc: {  	[smem:$0x3FB2] =	sst s4  }
0xd: {  	[smem:$0x3FB3] =	sst s5  }
0xe: {  	[smem:$0x3FB4] =	sst s6  }
0xf: {  	[smem:$0x3FB5] =	sst s7  }
0x10: {  	[smem:$0x3FB6] =	sst s8  }
0x11: {  	[smem:$0x3FB7] =	sst s9;
	s0 =	simm.s32 @!p0 $0x0  }
0x12: {  	s1 =	sld [smem:$0x3F9D];
	s0 =	simm.s32 @p0 $0x1  }
0x13: {  	[smem:$0x3FB8] =	sst s0;
	s0 =	simm.s32 @!p1 $0x0  }
0x14: {  	s2 =	sld [smem:$0x3F9C];
	s0 =	simm.s32 @p1 $0x1  }
0x15: {  	[smem:$0x3FB9] =	sst s0;
	s0 =	simm.s32 @!p2 $0x0  }
0x16: {  	s3 =	sld [smem:$0x3FDB];
	s0 =	simm.s32 @p2 $0x1  }
0x17: {  	s4 =	simm.s32 $0x1BF5;
	[smem:$0x3FBB] =	sst s0  }
0x18: {  	s0 =	sld [smem:$0x3F9E];
	_ =	swait.ge [sflag:s4], $0x0  }
0x19: {  	s7 =	sld [smem:$0x3F9F]  }
0x1a: {  	s8 =	sadd.s32 $0xFFFFE003, lr  }
0x1b: {  	s9 =	sadd.s32 $0xFFFFFEF7, lr;
	s5 =	simm.s32 $0xFFFFFFFF;
	p2 =	slt.u32 s8, $0xFFFFF086  }
0x1c: {  	p1 =	slt.u32 s9, $0xF7A;
	s5 =	simm.s32 @!p2 $0x0  }
0x1d: {  	s5 =	simm.s32 @p1 $0x1;
	p0 =	seq.s32 s7, s2  }
0x1e: {  	s7 =	smul.u32 @!p0 $0xF7A, s2;
	p2 =	seq.s32 @!p0 s5, $0x0  }
0x1f: {  	s9 =	smul.u32 $0xF7A, s1;
	s8 =	simm.s32 @!p0 $0x1BF5;
	p2 =	por !p2, p0  }
0x20: {  	[sflag:s8] =	ssyncset.s32 @!p0 $0xFFFFF086;
	s6 =	sadd.s32 @!p0 s3, s7;
	s7 =	simm.s32 @!p0 $0x108  }
0x21: {  	s3 =	sadd.s32 s3, s9;
	s6 =	sadd.s32 @!p0 $0x88, s6;
	s7 =	simm.s32 @p2 $0x1082  }
0x22: {  	[simem:s7], [sflag:s8] =	dma.local @!p0 [hbm:s6], $0xF7A  }
0x23: {  	s9 =	sor.u32 $0xD0000000, s2;
	s6 =	simm.s32 $0x108;
	_ =	swait.ge @!p0 [sflag:s8], $0x0  }
0x24: {  	s3 =	sadd.s32 $0x88, s3;
	s6 =	simm.s32 @!p1 $0x1082;
	[sflag:s4] =	ssyncset.s32 $0xFFFFF086  }
0x25: {  	[simem:s6], [sflag:s4] =	dma.local [hbm:s3], $0xF7A  }
0x26: {  	[smem:$0x3F9F] =	sst s1;
	(tag) =	ssettag s2;
	_ =	strace s9  }
0x27: {  	s1 =	sld [smem:$0x3FAF]  }
0x28: {  	s2 =	sld [smem:$0x3FB0]  }
0x29: {  	s4 =	sld [smem:$0x3FB2]  }
0x2a: {  	p0 =	seq.s32 s5, $0x0;
	s5 =	sld [smem:$0x3FB3]  }
0x2b: {  	s6 =	sld [smem:$0x3FB4]  }
0x2c: {  	s7 =	sld [smem:$0x3FB5]  }
0x2d: {  	s3 =	simm.s32 $0x108;
	s8 =	sld [smem:$0x3FB6]  }
0x2e: {  	s3 =	simm.s32 @!p0 $0x1082;
	s9 =	sld [smem:$0x3FB7]  }
0x2f: {  	lr =	sadd.s32 s0, s3;
	s0 =	sld [smem:$0x3FAE]  }
0x30: {  	s3 =	sld [smem:$0x3FB1]  }
0x31: {  	[smem:$0x3FBA] =	sst s10  }
0x32: {  	s10 =	sld [smem:$0x3FB8];
	_ =	sdelay $0x3  }
0x33: {  	p0 =	seq.s32 s10, $0x1;
	s10 =	sld [smem:$0x3FBA];
	_ =	sdelay $0x3  }
0x34: {  	[smem:$0x3FBA] =	sst s10  }
0x35: {  	s10 =	sld [smem:$0x3FB9];
	_ =	sdelay $0x3  }
0x36: {  	p1 =	seq.s32 s10, $0x1;
	s10 =	sld [smem:$0x3FBA];
	_ =	sdelay $0x3  }
0x37: {  	[smem:$0x3FBA] =	sst s10  }
0x38: {  	s10 =	sld [smem:$0x3FBB]  }
0x39: {  	_ = 	snop;
	(pc) =	sbr.ind lr, $3  }
0x3a: {  	_ = 	snop  }
0x3b: {  	_ = 	snop  }
0x3c: {  	p2 =	seq.s32 s10, $0x1;
	s10 =	sld [smem:$0x3FBA]  }
0x3d: {  	_ =	shalt  }
0x3e: {  	_ =	shalt  }
0x3f: {  	_ =	shalt  }
0x40: {  	_ =	shalt  }
0x41: {  	_ =	shalt  }
0x42: {  	_ =	shalt  }
0x43: {  	_ =	shalt  }
0x44: {  	_ =	shalt  }
0x45: {  	_ =	shalt  }
0x46: {  	_ =	shalt  }
0x47: {  	_ =	shalt  }
0x48: {  	_ =	shalt  }
0x49: {  	_ =	shalt  }
0x4a: {  	_ =	shalt  }
0x4b: {  	_ =	shalt  }
0x4c: {  	_ =	shalt  }
0x4d: {  	_ =	shalt  }
0x4e: {  	_ =	shalt  }
0x4f: {  	_ =	shalt  }
0x50: {  	_ =	shalt  }
0x51: {  	_ =	shalt  }
0x52: {  	_ =	shalt  }
0x53: {  	_ =	shalt  }
0x54: {  	_ =	shalt  }
0x55: {  	_ =	shalt  }
0x56: {  	_ =	shalt  }
0x57: {  	_ =	shalt  }
0x58: {  	_ =	shalt  }
0x59: {  	_ =	shalt  }
0x5a: {  	_ =	shalt  }
0x5b: {  	_ =	shalt  }
0x5c: {  	_ =	shalt  }
0x5d: {  	_ =	shalt  }
0x5e: {  	_ =	shalt  }
0x5f: {  	_ =	shalt  }
0x60: {  	_ =	shalt  }
0x61: {  	_ =	shalt  }
0x62: {  	_ =	shalt  }
0x63: {  	_ =	shalt  }
0x64: {  	_ =	shalt  }
0x65: {  	_ =	shalt  }
0x66: {  	_ =	shalt  }
0x67: {  	_ =	shalt  }
0x68: {  	_ =	shalt  }
0x69: {  	_ =	shalt  }
0x6a: {  	_ =	shalt  }
0x6b: {  	_ =	shalt  }
0x6c: {  	_ =	shalt  }
0x6d: {  	_ =	shalt  }
0x6e: {  	_ =	shalt  }
0x6f: {  	_ =	shalt  }
0x70: {  	_ =	shalt  }
0x71: {  	_ =	shalt  }
0x72: {  	_ =	shalt  }
0x73: {  	_ =	shalt  }
0x74: {  	_ =	shalt  }
0x75: {  	_ =	shalt  }
0x76: {  	_ =	shalt  }
0x77: {  	_ =	shalt  }
0x78: {  	_ =	shalt  }
0x79: {  	_ =	shalt  }
0x7a: {  	_ =	shalt  }
0x7b: {  	_ =	shalt  }
0x7c: {  	_ =	shalt  }
0x7d: {  	_ =	shalt  }
0x7e: {  	_ =	shalt  }
0x7f: {  	_ =	shalt  }
0x80: {  	_ =	shalt  }
0x81: {  	_ =	shalt  }
0x82: {  	_ =	shalt  }
0x83: {  	_ =	shalt  }
0x84: {  	_ =	shalt  }
0x85: {  	_ =	shalt  }
0x86: {  	_ =	shalt  }
0x87: {  	_ =	shalt  }
.Lfunc_end0:
.L_simem_size_0:
called_computation_lowered:
.L_overlay_start_0:
0x88: {  	s2 =	sld [smem:$0x3FD9]  }
0x89: {  	s3 =	sld [smem:$0x3FFE];
	_ =	sdelay $0x1  }
0x8a: {  	s1 =	srdreg.scid  }
0x8b: {  	s0 =	sand.u32 $0x1, s1  }
0x8c: {  	s17 =	sshll.u32 s0, $0xA;
	s2 =	sadd.s32 s3, s2  }
0x8d: {  	s2 =	sadd.s32 s2, s17  }
0x8e: {  	[smem:$0x3FC6] =	sst s2  }
0x8f: {  	_ = 	snop  }
0x90: {  	s2 =	sld [smem:$0x3FC9]  }
0x91: {  	s18 =	sld [smem:$0x3FC8];
	(tm) =	ssettm $0x1  }
0x92: {  	s4 =	sld [smem:$0x3FFB];
	_ =	sdelay $0x3  }
0x93: {  	_ =	strace s4  }
0x94: {  	s4 =	sld [smem:$0x3FFC];
	_ =	sdelay $0x3  }
0x95: {  	_ =	strace s4  }
0x96: {  	s4 =	sld [smem:$0x3FFD];
	_ =	sdelay $0x3  }
0x97: {  	_ =	strace s4  }
0x98: {  	_ =	strace $0x8FFFFFFF  }
0x99: {  	s19 =	sld [smem:$0x3FDB];
	_ =	sdelay $0x1  }
0x9a: {  	s5 =	simm.s32 $_scs_section_size  }
0x9b: {  	s6 =	simm.s32 $_size__tile_overlayer_lowered;
	s7 =	simm.s32 $_tile_overlayer_lowered  }
0x9c: {  	s22 =	simm.s32 $0x1BFF;
	s21 =	sshll.u32 s7, $0x1;
	s4 =	sadd.s32 s5, s19  }
0x9d: {  	s8 =	simm.s32 $0x0;
	s20 =	sshll.u32 s6, $0x1;
	s6 =	sadd.s32 s21, s4  }
0x9e: {  	[timem:s8], [sflag:s22] =	dma.local [hbm:s6], s20  }
0x9f: {  	_ =	swait.ge [sflag:s22], s20  }
0xa0: {  	s5 =	ssub.s32 $0x0, s20;
	[sflag:s22] =	ssyncset.done $0x0  }
0xa1: {  	[sflag:s22] =	ssyncadd.s32 s5;
	_ =	sdelay $0x1  }
0xa2: {  	s23 =	simm.s32 $0x1B8B  }
0xa3: {  	_ =	swait.ge [sflag:s23], $0x1  }
0xa4: {  	[sflag:s23] =	ssyncset.done $0x0  }
0xa5: {  	s25 =	simm.s32 $0x1B8E;
	s24 =	sld [smem:$0x3FFE];
	[sflag:s23] =	ssyncadd.s32 $0xFFFFFFFF  }
0xa6: {  	s26 =	simm.s32 $execute0_lowered;
	[smem:$0x3FD2] =	sst s25  }
0xa7: {  	s6 =	sshll.u32 s26, $0x1;
	_ =	strace $0x80000046;
	[dreg:$0x1] =	wrdreg $0xFFFFFFFF  }
0xa8: {  	s28 =	simm.s32 $_size_execute0_lowered;
	s4 =	sadd.s32 s4, s6;
	[dreg:$0x0] =	wrdreg $0x0  }
0xa9: {  	s6 =	sshll.u32 s28, $0x1;
	[dreg:$0x2] =	wrdreg s4  }
0xaa: {  	[dreg:$0x3] =	wrdreg s6  }
0xab: {  	[dreg:$0x4] =	wrdreg $0xC0  }
0xac: {  	_ =	task [dreg:s8], $0x5FFFF  }
0xad: {  	[dreg:$0x1] =	wrdreg $0xFFFFFFFF  }
0xae: {  	[dreg:$0x0] =	wrdreg $0x60  }
0xaf: {  	[dreg:$0x2] =	wrdreg s2  }
0xb0: {  	[dreg:$0x3] =	wrdreg s18  }
0xb1: {  	[dreg:$0x4] =	wrdreg s24  }
0xb2: {  	[dreg:$0x5] =	wrdreg $0x9  }
0xb3: {  	_ =	task.clear_ibuf [dreg:s8], $0x6FFFF;
	_ =	strace $0x90000046  }
0xb4: {  	s29 =	simm.s32 $0x9;
	_ =	strace $0x80000048  }
0xb5: {  	_ =	swait.ge [sflag:s29], $0x1  }
0xb6: {  	[sflag:s29] =	ssyncadd.s32 $0xFFFFFFFF  }
0xb7: {  	_ =	strace $0x90000048  }
0xb8: {  	_ =	sfence  }
0xb9: {  	s30 =	sld [smem:$0x0];
	_ =	sdelay $0x2  }
0xba: {  	s31 =	sshll.u32 s1, $0xD;
	s1 =	sshrl.u32 s1, $0x2  }
0xbb: {  	s3 =	sand.u32 $0x4000, s31;
	s1 =	sadd.s32 s1, s30  }
0xbc: {  	s0 =	sor.u32 s3, s0;
	s1 =	sshll.u32 s1, $0x11  }
0xbd: {  	s0 =	sor.u32 s1, s0  }
0xbe: {  	s0 =	sadd.s32 $0x8F2B, s0  }
0xbf: {  	[sflag:s0] =	ssyncadd.remote.s32 $0x1  }
0xc0: {  	_ =	sfence.sel $0xFFFF  }
0xc1: {  	[dreg:$0x0] =	wrdreg $0xFFFFFFFF;
	(pc) =	sbr.abs _section_cstart, $3  }
0xc2: {  	[dreg:$0x1] =	wrdreg $0xFFFFFFFF  }
0xc3: {  	_ =	task.clear_ibuf [dreg:s8], $0x2FFFF;
	_ =	strace $0x9FFFFFFF  }
0xc4: {  	(tm) =	ssettm $0x7FFFFFFF  }
0xc5: {  	_ =	shalt  }
tec
execute0_lowered:
.L_overlay_start_1:
0x0: {  	(tag) =	ssettag $0x1  }
0x1: {  	s1 =	rddreg [dreg:$0x0]  }
0x2: {  	s3 =	rddreg [dreg:$0x1]  }
0x3: {  	s0 =	rddreg [dreg:$0x2];
	s2 =	srdreg.scid  }
0x4: {  	s7 =	stileid.u32;
	s4 =	simm.s32 $0x0;
	s17 =	simm.s32 $0x2000  }
0x5: {  	s18 =	simm.s32 $0x4000;
	s19 =	simm.s32 $0x6000;
	s20 =	simm.s32 $0x1  }
0x6: {  	s21 =	simm.s32 $0x8000;
	s22 =	simm.s32 $0x2;
	s23 =	simm.s32 $0x3  }
0x7: {  	s28 =	simm.s32 $0x0;
	s29 =	simm.s32 $0x0;
	s2 =	sand.u32 $0x1, s2  }
0x8: {  	s5 =	sand.u32 $0x7, s7;
	[smem:$0x7FF] =	sst s4;
	s7 =	sshrl.u32 s7, $0x3  }
0x9: {  	s6 =	sshll.u32 s2, $0x3;
	_ =	strace $0x80000047;
	s8 =	sshll.u32 s7, $0xC  }
0xa: {  	s2 =	ssub.s32 $0x2, s2;
	s9 =	sshll.u32 s7, $0x11;
	s11 =	sshll.u32 s7, $0x8  }
0xb: {  	s5 =	sor.u32 s5, s6;
	s30 =	sshrl.u32 s2, $0x1;
	s10 =	sor.u32 $0x20, s11  }
0xc: {  	s11 =	sor.u32 $0x30, s11;
	s6 =	sshll.u32 s5, $0xD;
	s5 =	sshll.u32 s5, $0x12  }
0xd: {  	s2 =	ssub.s32 s2, s30;
	s6 =	sor.u32 s8, s6;
	s9 =	sor.u32 s9, s5  }
0xe: {  	s16 =	smax.u32 s2, $0x1;
	s0 =	sadd.s32 s6, s0;
	s31 =	sshrl.u32 s9, $0x3  }
0xf: {  	s6 =	sadd.s32 s1, s31;
	s9 =	sor.u32 $0x400, s31;
	s7 =	sadd.s32 s3, s31  }
0x10: {  	s12 =	sadd.s32 $0x600, s0;
	s13 =	sadd.s32 $0xA00, s0;
	s14 =	sadd.s32 $0xE00, s0  }
0x11: {  	v0 =	vimm.s32 $0x0;
	v1 =	vimm.s32 $0x1;
	s15 =	sadd.s32 $0x1200, s0;
	s8 =	sadd.s32 s1, s9;
	s9 =	sadd.s32 s3, s9  }
.LBB2_1:
0x12: {  	s0 =	simm.s32 $0x8040  }
0x13: {  	[tilespmem:s0+$0xFFFFFFC0] =	vst v0  }
0x14: {  	[tilespmem:s0+$0x30] =	vst v0  }
0x15: {  	[tilespmem:s0+$0x20] =	vst v0  }
0x16: {  	[tilespmem:s0+$0x10] =	vst v0  }
0x17: {  	[tilespmem:s0+$0x0] =	vst v0  }
0x18: {  	[tilespmem:s0+$0xFFFFFFF0] =	vst v0  }
0x19: {  	s2 =	simm.s32 $0x0;
	[tilespmem:s0+$0xFFFFFFE0] =	vst v0  }
.LBB2_2:
0x1a: {  	s2 =	sadd.s32 $0x8, s2;
	[tilespmem:s0+$0xFFFFFFD0] =	vst v0;
	s0 =	sadd.s32 $0x80, s0  }
0x1b: {  	[tilespmem:s0+$0xFFFFFFC0] =	vst v0;
	p0 =	slt.u32 s2, $0x7F8  }
0x1c: {  	[tilespmem:s0+$0x30] =	vst v0  }
.Ltmp0:
0x1d: {  	[tilespmem:s0+$0x20] =	vst v0;
	(pc) =	sbr.rel @p0 .LBB2_2-.Ltmp0, $4  }
0x1e: {  	[tilespmem:s0+$0x10] =	vst v0  }
0x1f: {  	[tilespmem:s0+$0x0] =	vst v0  }
0x20: {  	[tilespmem:s0+$0xFFFFFFF0] =	vst v0  }
0x21: {  	[tilespmem:s0+$0xFFFFFFE0] =	vst v0  }
0x22: {  	[tilespmem:s0+$0xFFFFFFD0] =	vst v0  }
0x23: {  	[tilespmem:s29], [sflag:$0x1] =	stream.linear.gather [hbm4b:s6+s29], $0x2000, $0x38;
	[tilespmem:$0x10000] =	vst v63  }
0x24: {  	_ = 	snop  }
0x25: {  	[tilespmem:s17], [sflag:$0x1] =	stream.linear.gather [hbm4b:s7+s29], $0x2000, $0x38;
	[tilespmem:$0x10000] =	vst v63  }
0x26: {  	_ = 	snop  }
0x27: {  	[tilespmem:s18], [sflag:$0x2] =	stream.linear.gather [hbm4b:s8+s29], $0x2000, $0x38;
	[tilespmem:$0x10000] =	vst v63  }
0x28: {  	s30 =	simm.s32 $0x0  }
0x29: {  	[tilespmem:s19], [sflag:$0x2] =	stream.linear.gather [hbm4b:s9+s29], $0x2000, $0x38;
	[tilespmem:$0x10000] =	vst v63  }
.LBB2_4:
0x2a: {  	_ =	swait.ge [sflag:s20], $0x2000  }
0x2b: {  	[sflag:s20] =	ssyncset.done $0x0  }
0x2c: {  	s0 =	simm.s32 $0x0;
	s2 =	simm.s32 $0x0;
	[sflag:s20] =	ssyncadd.s32 $0xFFFFE000  }
0x2d: {  	s24 =	sand.u32 $0xC00, s29;
	s0 =	sand.u32 $0x1000, s0;
	_ =	swait.ge [sflag:s20], $0x2000  }
0x2e: {  	s2 =	sand.u32 $0x380, s2;
	s0 =	sor.u32 s24, s0;
	[sflag:s20] =	ssyncset.done $0x0  }
0x2f: {  	s0 =	sor.u32 s2, s0;
	[sflag:s20] =	ssyncadd.s32 $0xFFFFE000  }
0x30: {  	v2 =	vld [tilespmem:s0+$0x2070]  }
0x31: {  	v3 =	vld [tilespmem:s0+$0x0]  }
0x32: {  	v4 =	vld [tilespmem:s0+$0x50]  }
0x33: {  	v5 =	vld [tilespmem:s0+$0x20]  }
0x34: {  	v6 =	vld [tilespmem:s0+$0x40]  }
0x35: {  	v7 =	vld [tilespmem:s0+$0x60]  }
0x36: {  	v8 =	vld [tilespmem:s0+$0x2000]  }
0x37: {  	v9 =	vld [tilespmem:s0+$0x2030]  }
0x38: {  	v10 =	vld [tilespmem:s0+$0x2040]  }
0x39: {  	v11 =	vld [tilespmem:s0+$0x2020]  }
0x3a: {  	v12 =	vld [tilespmem:s0+$0x2060]  }
0x3b: {  	v13 =	vld [tilespmem:s0+$0x70];
	v5 =	vmul.f32 $8.192000120e+02, v5  }
0x3c: {  	v14 =	vld [tilespmem:s0+$0x2050];
	v6 =	vmul.f32 $8.192000120e+02, v6;
	v3 =	vmul.f32 $8.192000120e+02, v3  }
0x3d: {  	v15 =	vld [tilespmem:s0+$0x30];
	v2 =	vcvt.s32.f32 v2;
	v4 =	vmul.f32 $8.192000120e+02, v4  }
0x3e: {  	v8 =	vcvt.s32.f32 v8;
	v7 =	vmul.f32 $8.192000120e+02, v7  }
0x3f: {  	v10 =	vcvt.s32.f32 v10;
	v11 =	vcvt.s32.f32 v11  }
0x40: {  	v9 =	vcvt.s32.f32 v9;
	v12 =	vcvt.s32.f32 v12  }
0x41: {  	v13 =	vmul.f32 $8.192000120e+02, v13;
	v14 =	vcvt.s32.f32 v14  }
0x42: {  	v18 =	vld [tilespmem:s0+$0x2010];
	v15 =	vmul.f32 $8.192000120e+02, v15;
	v16 =	vadd.f32 v2, v2;
	v17 =	vadd.f32 v8, v8  }
0x43: {  	v19 =	vadd.f32 v10, v10;
	v20 =	vadd.f32 v11, v11;
	v2 =	vmul.f32 $1.638400000e+04, v2  }
0x44: {  	v8 =	vmul.f32 $1.638400000e+04, v8;
	v16 =	vadd.f32 $-1.000000000e+00, v16;
	v17 =	vadd.f32 $-1.000000000e+00, v17  }
0x45: {  	v21 =	vadd.f32 v9, v9;
	v11 =	vmul.f32 $1.638400000e+04, v11;
	v9 =	vmul.f32 $1.638400000e+04, v9  }
0x46: {  	v20 =	vadd.f32 $-1.000000000e+00, v20;
	v13 =	vmul.f32 v16, v13;
	v3 =	vmul.f32 v17, v3  }
0x47: {  	v22 =	vld [tilespmem:s0+$0x10];
	v16 =	vadd.f32 v14, v14;
	v17 =	vcvt.s32.f32 v18;
	v18 =	vadd.f32 v12, v12  }
0x48: {  	v5 =	vmul.f32 v20, v5;
	v13 =	vadd.f32 $8.192000000e+03, v13;
	v3 =	vadd.f32 $8.192000000e+03, v3  }
0x49: {  	v14 =	vmul.f32 $1.638400000e+04, v14;
	v16 =	vadd.f32 $-1.000000000e+00, v16;
	v23 =	vadd.f32 v17, v17  }
0x4a: {  	s31 =	simm.s32 $0x400;
	s24 =	simm.s32 $0x80;
	v5 =	vadd.f32 $8.192000000e+03, v5;
	v13 =	vmax.f32 v13, $0.0e+00;
	v3 =	vmax.f32 v3, $0.0e+00  }
0x4b: {  	s25 =	simm.s32 $0x20;
	s26 =	sand.u32 $0xC00, s31;
	s0 =	sand.u32 $0x1000, s24;
	v4 =	vmul.f32 v16, v4;
	v16 =	vadd.f32 $-1.000000000e+00, v19;
	v13 =	vmin.f32 v13, $1.638300000e+04  }
0x4c: {  	s2 =	sand.u32 $0x380, s25;
	s0 =	sor.u32 s26, s0;
	v19 =	vmul.f32 $8.192000120e+02, v22;
	v3 =	vmin.f32 v3, $1.638300000e+04;
	v2 =	vadd.f32 v13, v2  }
0x4d: {  	s0 =	sor.u32 s2, s0;
	v3 =	vadd.f32 v3, v8;
	v8 =	vmul.f32 $1.638400000e+04, v17;
	v17 =	vadd.f32 $-1.000000000e+00, v23  }
0x4e: {  	v25 =	vld [tilespmem:s0+$0x2030];
	v5 =	vmax.f32 v5, $0.0e+00;
	v13 =	vadd.f32 $-1.000000000e+00, v21;
	v6 =	vmul.f32 v16, v6  }
0x4f: {  	v5 =	vmin.f32 v5, $1.638300000e+04;
	v16 =	vld [tilespmem:s0+$0x2070];
	v2 =	vtrunc.f32 v2;
	v17 =	vmul.f32 v17, v19  }
0x50: {  	v5 =	vadd.f32 v5, v11;
	v13 =	vmul.f32 v13, v15;
	v15 =	vld [tilespmem:s0+$0x20];
	v3 =	vtrunc.f32 v3  }
0x51: {  	v4 =	vadd.f32 $8.192000000e+03, v4;
	v19 =	vmul.f32 $1.638400000e+04, v10;
	v10 =	vld [tilespmem:s0+$0x40];
	v20 =	vcvt.f32.s32 v2  }
0x52: {  	v2 =	vld [tilespmem:s0+$0x0];
	v24 =	vcvt.f32.s32 v3;
	v3 =	vadd.f32 $8.192000000e+03, v13;
	v13 =	vadd.f32 $8.192000000e+03, v17  }
0x53: {  	v11 =	vld [tilespmem:s0+$0x50];
	v5 =	vtrunc.f32 v5;
	v4 =	vmax.f32 v4, $0.0e+00;
	v23 =	vadd.f32 $8.192000000e+03, v6  }
0x54: {  	v27 =	vld [tilespmem:s0+$0x2050];
	v21 =	vcvt.f32.s32 v5;
	v4 =	vmin.f32 v4, $1.638300000e+04;
	v13 =	vmax.f32 v13, $0.0e+00  }
0x55: {  	v5 =	vld [tilespmem:s0+$0x60];
	v16 =	vcvt.s32.f32 v16;
	v3 =	vmax.f32 v3, $0.0e+00;
	v13 =	vmin.f32 v13, $1.638300000e+04  }
0x56: {  	v17 =	vld [tilespmem:s0+$0x2000];
	v22 =	vmin.f32 v3, $1.638300000e+04;
	v6 =	vmul.f32 $8.192000120e+02, v15;
	v3 =	vmul.f32 $8.192000120e+02, v10  }
0x57: {  	v8 =	vadd.f32 v13, v8;
	v26 =	vmul.f32 $8.192000120e+02, v2;
	v13 =	vld [tilespmem:s0+$0x2040];
	v2 =	vadd.f32 v4, v14  }
0x58: {  	v10 =	vmul.f32 $8.192000120e+02, v11;
	v4 =	vld [tilespmem:s0+$0x2020];
	v14 =	vmax.f32 v23, $0.0e+00;
	v23 =	vadd.f32 $-1.000000000e+00, v18  }
0x59: {  	v15 =	vmul.f32 $1.638400000e+04, v12;
	v12 =	vld [tilespmem:s0+$0x2060];
	v14 =	vmin.f32 v14, $1.638300000e+04;
	v28 =	vtrunc.f32 v2  }
0x5a: {  	v2 =	vmul.f32 $8.192000120e+02, v5;
	v5 =	vmul.f32 v23, v7;
	v7 =	vadd.f32 v14, v19  }
0x5b: {  	v29 =	vld [tilespmem:s0+$0x30];
	v11 =	vcvt.s32.f32 v17;
	v18 =	vtrunc.f32 v8  }
0x5c: {  	v30 =	vld [tilespmem:s0+$0x70];
	v9 =	vadd.f32 v22, v9;
	v14 =	vtrunc.f32 v7;
	v7 =	vcvt.s32.f32 v27  }
0x5d: {  	v19 =	vld [tilespmem:s0+$0x2010];
	v23 =	vadd.f32 v11, v11;
	v8 =	vcvt.s32.f32 v13;
	v13 =	vcvt.s32.f32 v4  }
0x5e: {  	v4 =	vcvt.s32.f32 v25;
	v25 =	vadd.f32 $8.192000000e+03, v5;
	v5 =	vcvt.s32.f32 v12  }
0x5f: {  	v12 =	vadd.f32 v16, v16;
	v31 =	vcvt.f32.s32 v14;
	v63 =	vadd.f32 $-1.000000000e+00, v23  }
0x60: {  	v14 =	vmul.f32 $8.192000120e+02, v29;
	v29 =	vadd.f32 v7, v7;
	v17 =	vadd.f32 v8, v8  }
0x61: {  	[tilespmem:v20+s21+$0x0] =	vst.idx.add.s32.msk $0xffff, v1;
	v27 =	vmul.f32 $8.192000120e+02, v30;
	v22 =	vadd.f32 v13, v13;
	v12 =	vadd.f32 $-1.000000000e+00, v12  }
0x62: {  	[tilespmem:v21+s21+$0x0] =	vst.idx.add.s32.msk $0xffff, v1;
	v25 =	vmax.f32 v25, $0.0e+00;
	v21 =	vcvt.s32.f32 v19;
	v19 =	vtrunc.f32 v9  }
0x63: {  	v20 =	vld [tilespmem:s0+$0x10];
	v23 =	vadd.f32 v4, v4;
	v9 =	vadd.f32 v5, v5;
	v12 =	vmul.f32 v12, v27  }
0x64: {  	[tilespmem:v24+s21+$0x0] =	vst.idx.add.s32.msk $0xffff, v1;
	v24 =	vadd.f32 $-1.000000000e+00, v29;
	v25 =	vmin.f32 v25, $1.638300000e+04;
	v27 =	vmul.f32 v63, v26  }
0x65: {  	s0 =	simm.s32 $0x8;
	v26 =	vadd.f32 $8.192000000e+03, v12;
	v12 =	vcvt.f32.s32 v19;
	[tilespmem:v31+s21+$0x0] =	vst.idx.add.s32.msk $0xffff, v1;
	v19 =	vcvt.f32.s32 v28  }
.LBB2_5:
0x66: {  	s0 =	sadd.s32 $0x8, s0;
	v27 =	vadd.f32 $8.192000000e+03, v27;
	v16 =	vmul.f32 $1.638400000e+04, v16;
	s31 =	sadd.s32 $0x400, s31;
	v18 =	vcvt.f32.s32 v18  }
0x67: {  	v28 =	vadd.f32 v21, v21;
	v15 =	vadd.f32 v25, v15;
	s2 =	sshll.u32 s0, $0x4;
	s24 =	sshll.u32 s0, $0x2;
	p0 =	slt.u32 s0, $0x1F8;
	v26 =	vmax.f32 v26, $0.0e+00  }
0x68: {  	v22 =	vadd.f32 $-1.000000000e+00, v22;
	s25 =	sand.u32 $0xC00, s31;
	s2 =	sand.u32 $0x1000, s2;
	v25 =	vmax.f32 v27, $0.0e+00;
	v26 =	vmin.f32 v26, $1.638300000e+04  }
0x69: {  	v10 =	vmul.f32 v24, v10;
	s24 =	sand.u32 $0x380, s24;
	v15 =	vtrunc.f32 v15;
	s2 =	sor.u32 s25, s2;
	v16 =	vadd.f32 v26, v16  }
0x6a: {  	v11 =	vmul.f32 $1.638400000e+04, v11;
	v6 =	vmul.f32 v22, v6;
	v24 =	vmin.f32 v25, $1.638300000e+04;
	s2 =	sor.u32 s24, s2  }
0x6b: {  	v20 =	vmul.f32 $8.192000120e+02, v20;
	v17 =	vadd.f32 $-1.000000000e+00, v17;
	v22 =	vadd.f32 $-1.000000000e+00, v23;
	[tilespmem:v19+s21+$0x0] =	vst.idx.add.s32.msk $0xffff, v1  }
0x6c: {  	v21 =	vmul.f32 $1.638400000e+04, v21;
	v11 =	vadd.f32 v24, v11;
	v6 =	vadd.f32 $8.192000000e+03, v6;
	v19 =	vld [tilespmem:s2+$0x2070]  }
0x6d: {  	v13 =	vmul.f32 $1.638400000e+04, v13;
	v23 =	vadd.f32 $-1.000000000e+00, v28;
	v16 =	vtrunc.f32 v16;
	[tilespmem:v18+s21+$0x0] =	vst.idx.add.s32.msk $0xffff, v1  }
0x6e: {  	v15 =	vcvt.f32.s32 v15;
	v6 =	vmax.f32 v6, $0.0e+00;
	v24 =	vcvt.f32.s32 v16;
	v18 =	vld [tilespmem:s2+$0x0]  }
0x6f: {  	v20 =	vmul.f32 v23, v20;
	v14 =	vmul.f32 v22, v14;
	v6 =	vmin.f32 v6, $1.638300000e+04;
	v16 =	vld [tilespmem:s2+$0x50]  }
0x70: {  	v11 =	vtrunc.f32 v11;
	v6 =	vadd.f32 v6, v13;
	v13 =	vmul.f32 $1.638400000e+04, v8;
	v22 =	vld [tilespmem:s2+$0x20]  }
0x71: {  	v10 =	vadd.f32 $8.192000000e+03, v10;
	v23 =	vcvt.f32.s32 v11;
	v11 =	vadd.f32 $8.192000000e+03, v14;
	v8 =	vld [tilespmem:s2+$0x40]  }
0x72: {  	v3 =	vmul.f32 v17, v3;
	v14 =	vadd.f32 $8.192000000e+03, v20;
	v6 =	vtrunc.f32 v6;
	[tilespmem:v12+s21+$0x0] =	vst.idx.add.s32.msk $0xffff, v1  }
0x73: {  	v10 =	vmax.f32 v10, $0.0e+00;
	v25 =	vcvt.f32.s32 v6;
	v6 =	vmax.f32 v11, $0.0e+00;
	v12 =	vld [tilespmem:s2+$0x60]  }
0x74: {  	v7 =	vmul.f32 $1.638400000e+04, v7;
	v17 =	vmin.f32 v10, $1.638300000e+04;
	v14 =	vmax.f32 v14, $0.0e+00;
	v11 =	vld [tilespmem:s2+$0x2000]  }
0x75: {  	v20 =	vadd.f32 $8.192000000e+03, v3;
	v10 =	vmin.f32 v14, $1.638300000e+04;
	v14 =	vmin.f32 v6, $1.638300000e+04;
	[tilespmem:v15+s21+$0x0] =	vst.idx.add.s32.msk $0xffff, v1  }
0x76: {  	v6 =	vmul.f32 $8.192000120e+02, v22;
	v22 =	vld [tilespmem:s2+$0x2030];
	v3 =	vmul.f32 $8.192000120e+02, v8;
	v8 =	vadd.f32 v10, v21  }
0x77: {  	v7 =	vadd.f32 v17, v7;
	v26 =	vmul.f32 $8.192000120e+02, v18;
	v10 =	vmul.f32 $8.192000120e+02, v16;
	v21 =	vld [tilespmem:s2+$0x2040]  }
0x78: {  	v4 =	vmul.f32 $1.638400000e+04, v4;
	v20 =	vmax.f32 v20, $0.0e+00;
	v15 =	vmul.f32 $1.638400000e+04, v5;
	v17 =	vld [tilespmem:s2+$0x2020]  }
0x79: {  	v16 =	vcvt.s32.f32 v19;
	v19 =	vtrunc.f32 v7;
	v7 =	vadd.f32 $-1.000000000e+00, v9;
	v5 =	vld [tilespmem:s2+$0x2060]  }
0x7a: {  	v20 =	vmin.f32 v20, $1.638300000e+04;
	v18 =	vtrunc.f32 v8;
	v11 =	vcvt.s32.f32 v11;
	v9 =	vld [tilespmem:s2+$0x2050]  }
0x7b: {  	v28 =	vadd.f32 v14, v4;
	v7 =	vmul.f32 v7, v2;
	v2 =	vmul.f32 $8.192000120e+02, v12;
	v27 =	vld [tilespmem:s2+$0x30]  }
0x7c: {  	v14 =	vadd.f32 v20, v13;
	v12 =	vadd.f32 v11, v11;
	v8 =	vcvt.s32.f32 v21;
	v21 =	vld [tilespmem:s2+$0x70]  }
0x7d: {  	v30 =	vadd.f32 $8.192000000e+03, v7;
	v4 =	vcvt.s32.f32 v22;
	v29 =	vld [tilespmem:s2+$0x2010];
	v13 =	vcvt.s32.f32 v17  }
0x7e: {  	v14 =	vtrunc.f32 v14;
	v31 =	vadd.f32 v16, v16;
	v5 =	vcvt.s32.f32 v5;
	[tilespmem:v24+s21+$0x0] =	vst.idx.add.s32.msk $0xffff, v1  }
0x7f: {  	v32 =	vcvt.f32.s32 v14;
	v17 =	vadd.f32 v8, v8;
	v20 =	vld [tilespmem:s2+$0x10];
	v7 =	vcvt.s32.f32 v9  }
0x80: {  	v24 =	vadd.f32 $-1.000000000e+00, v31;
	v22 =	vadd.f32 v13, v13;
	v14 =	vmul.f32 $8.192000120e+02, v27;
	[tilespmem:v25+s21+$0x0] =	vst.idx.add.s32.msk $0xffff, v1  }
.Ltmp1:
0x81: {  	v30 =	vmax.f32 v30, $0.0e+00;
	v25 =	vadd.f32 v7, v7;
	v27 =	vmul.f32 $8.192000120e+02, v21;
	[tilespmem:v23+s21+$0x0] =	vst.idx.add.s32.msk $0xffff, v1;
	(pc) =	sbr.rel @p0 .LBB2_5-.Ltmp1, $4  }
0x82: {  	v28 =	vtrunc.f32 v28;
	v12 =	vadd.f32 $-1.000000000e+00, v12;
	v21 =	vcvt.s32.f32 v29  }
0x83: {  	v9 =	vadd.f32 v5, v5;
	v23 =	vadd.f32 v4, v4;
	v29 =	vmul.f32 v24, v27  }
0x84: {  	v27 =	vmul.f32 v12, v26;
	v24 =	vadd.f32 $-1.000000000e+00, v25;
	v25 =	vmin.f32 v30, $1.638300000e+04  }
0x85: {  	v19 =	vcvt.f32.s32 v19;
	v12 =	vcvt.f32.s32 v28;
	v26 =	vadd.f32 $8.192000000e+03, v29;
	[tilespmem:v32+s21+$0x0] =	vst.idx.add.s32.msk $0xffff, v1  }
0x86: {  	v27 =	vadd.f32 $8.192000000e+03, v27  }
0x87: {  	v16 =	vmul.f32 $1.638400000e+04, v16;
	v18 =	vcvt.f32.s32 v18;
	v28 =	vadd.f32 v21, v21  }
0x88: {  	v15 =	vadd.f32 v25, v15;
	v22 =	vadd.f32 $-1.000000000e+00, v22;
	v10 =	vmul.f32 v24, v10  }
0x89: {  	v11 =	vmul.f32 $1.638400000e+04, v11;
	v23 =	vadd.f32 $-1.000000000e+00, v23;
	v20 =	vmul.f32 $8.192000120e+02, v20  }
0x8a: {  	v17 =	vadd.f32 $-1.000000000e+00, v17;
	v21 =	vmul.f32 $1.638400000e+04, v21;
	v13 =	vmul.f32 $1.638400000e+04, v13  }
0x8b: {  	v8 =	vmul.f32 $1.638400000e+04, v8;
	v9 =	vadd.f32 $-1.000000000e+00, v9;
	v7 =	vmul.f32 $1.638400000e+04, v7  }
0x8c: {  	v4 =	vmul.f32 $1.638400000e+04, v4;
	v5 =	vmul.f32 $1.638400000e+04, v5;
	v25 =	vmax.f32 v26, $0.0e+00  }
0x8d: {  	v26 =	vmax.f32 v27, $0.0e+00;
	v15 =	vtrunc.f32 v15;
	v6 =	vmul.f32 v22, v6  }
0x8e: {  	v25 =	vmin.f32 v25, $1.638300000e+04;
	v14 =	vmul.f32 v23, v14;
	v3 =	vmul.f32 v17, v3  }
0x8f: {  	v10 =	vadd.f32 $8.192000000e+03, v10;
	v16 =	vadd.f32 v25, v16;
	v22 =	vmin.f32 v26, $1.638300000e+04  }
0x90: {  	v2 =	vmul.f32 v9, v2;
	v11 =	vadd.f32 v22, v11;
	v6 =	vadd.f32 $8.192000000e+03, v6  }
0x91: {  	v15 =	vcvt.f32.s32 v15;
	v22 =	vadd.f32 $-1.000000000e+00, v28;
	v3 =	vadd.f32 $8.192000000e+03, v3  }
0x92: {  	v10 =	vmax.f32 v10, $0.0e+00;
	v2 =	vadd.f32 $8.192000000e+03, v2;
	v16 =	vtrunc.f32 v16  }
0x93: {  	v10 =	vmin.f32 v10, $1.638300000e+04;
	v6 =	vmax.f32 v6, $0.0e+00;
	v16 =	vcvt.f32.s32 v16  }
0x94: {  	v20 =	vmul.f32 v22, v20;
	v11 =	vtrunc.f32 v11;
	v3 =	vmax.f32 v3, $0.0e+00  }
0x95: {  	v7 =	vadd.f32 v10, v7;
	v2 =	vmax.f32 v2, $0.0e+00;
	v6 =	vmin.f32 v6, $1.638300000e+04  }
0x96: {  	v11 =	vcvt.f32.s32 v11;
	v3 =	vmin.f32 v3, $1.638300000e+04;
	v6 =	vadd.f32 v6, v13  }
0x97: {  	v2 =	vmin.f32 v2, $1.638300000e+04;
	v13 =	vadd.f32 $8.192000000e+03, v14;
	v14 =	vadd.f32 $8.192000000e+03, v20  }
0x98: {  	v3 =	vadd.f32 v3, v8;
	v7 =	vtrunc.f32 v7;
	v2 =	vadd.f32 v2, v5  }
0x99: {  	v7 =	vcvt.f32.s32 v7;
	v6 =	vtrunc.f32 v6;
	v14 =	vmax.f32 v14, $0.0e+00  }
0x9a: {  	[tilespmem:v19+s21+$0x0] =	vst.idx.add.s32.msk $0xffff, v1;
	v13 =	vmax.f32 v13, $0.0e+00;
	v3 =	vtrunc.f32 v3;
	v9 =	vmin.f32 v14, $1.638300000e+04  }
0x9b: {  	[tilespmem:v12+s21+$0x0] =	vst.idx.add.s32.msk $0xffff, v1;
	v6 =	vcvt.f32.s32 v6;
	v10 =	vmin.f32 v13, $1.638300000e+04;
	v8 =	vadd.f32 v9, v21  }
0x9c: {  	[tilespmem:v18+s21+$0x0] =	vst.idx.add.s32.msk $0xffff, v1;
	v2 =	vtrunc.f32 v2;
	v3 =	vcvt.f32.s32 v3;
	v4 =	vadd.f32 v10, v4  }
0x9d: {  	[tilespmem:v15+s21+$0x0] =	vst.idx.add.s32.msk $0xffff, v1;
	v2 =	vcvt.f32.s32 v2;
	v8 =	vtrunc.f32 v8  }
0x9e: {  	[tilespmem:v16+s21+$0x0] =	vst.idx.add.s32.msk $0xffff, v1;
	v4 =	vtrunc.f32 v4;
	v5 =	vcvt.f32.s32 v8  }
0x9f: {  	[tilespmem:v11+s21+$0x0] =	vst.idx.add.s32.msk $0xffff, v1;
	v4 =	vcvt.f32.s32 v4  }
0xa0: {  	s31 =	sshll.u32 s30, $0x5;
	[tilespmem:v7+s21+$0x0] =	vst.idx.add.s32.msk $0xffff, v1  }
0xa1: {  	s0 =	sadd.s32 s31, s10;
	[tilespmem:v6+s21+$0x0] =	vst.idx.add.s32.msk $0xffff, v1  }
0xa2: {  	s0 =	sshll.u32 s0, $0x9;
	[tilespmem:v3+s21+$0x0] =	vst.idx.add.s32.msk $0xffff, v1  }
0xa3: {  	s0 =	sadd.s32 s5, s0;
	[tilespmem:v2+s21+$0x0] =	vst.idx.add.s32.msk $0xffff, v1  }
0xa4: {  	s0 =	sshrl.u32 s0, $0x3;
	[tilespmem:v5+s21+$0x0] =	vst.idx.add.s32.msk $0xffff, v1  }
0xa5: {  	s24 =	simm.s32 $0x0;
	s2 =	sadd.s32 s1, s0;
	[tilespmem:v4+s21+$0x0] =	vst.idx.add.s32.msk $0xffff, v1  }
0xa6: {  	[tilespmem:s24], [sflag:$0x1] =	stream.linear.gather [hbm4b:s2+s24], $0x2000, $0x38;
	[tilespmem:$0x10000] =	vst v63  }
0xa7: {  	s0 =	sadd.s32 s3, s0  }
0xa8: {  	[tilespmem:s17], [sflag:$0x1] =	stream.linear.gather [hbm4b:s0+s24], $0x2000, $0x38;
	[tilespmem:$0x10000] =	vst v63  }
0xa9: {  	_ =	swait.ge [sflag:s22], $0x2000  }
0xaa: {  	[sflag:s22] =	ssyncset.done $0x0  }
0xab: {  	s25 =	simm.s32 $0x0;
	s26 =	simm.s32 $0x0;
	[sflag:s22] =	ssyncadd.s32 $0xFFFFE000  }
0xac: {  	s0 =	sand.u32 $0x1000, s25;
	s24 =	sand.u32 $0xC00, s24;
	_ =	swait.ge [sflag:s22], $0x2000  }
0xad: {  	s2 =	sand.u32 $0x380, s26;
	s0 =	sor.u32 s24, s0;
	[sflag:s22] =	ssyncset.done $0x0  }
0xae: {  	s0 =	sor.u32 s2, s0;
	[sflag:s22] =	ssyncadd.s32 $0xFFFFE000  }
0xaf: {  	v2 =	vld [tilespmem:s0+$0x6070]  }
0xb0: {  	v3 =	vld [tilespmem:s0+$0x4000]  }
0xb1: {  	v4 =	vld [tilespmem:s0+$0x4050]  }
0xb2: {  	v5 =	vld [tilespmem:s0+$0x4020]  }
0xb3: {  	v6 =	vld [tilespmem:s0+$0x4040]  }
0xb4: {  	v7 =	vld [tilespmem:s0+$0x4060]  }
0xb5: {  	v8 =	vld [tilespmem:s0+$0x6000]  }
0xb6: {  	v9 =	vld [tilespmem:s0+$0x6030]  }
0xb7: {  	v10 =	vld [tilespmem:s0+$0x6040]  }
0xb8: {  	v11 =	vld [tilespmem:s0+$0x6020]  }
0xb9: {  	v12 =	vld [tilespmem:s0+$0x6060]  }
0xba: {  	v13 =	vld [tilespmem:s0+$0x4070];
	v5 =	vmul.f32 $8.192000120e+02, v5  }
0xbb: {  	v14 =	vld [tilespmem:s0+$0x6050];
	v6 =	vmul.f32 $8.192000120e+02, v6;
	v3 =	vmul.f32 $8.192000120e+02, v3  }
0xbc: {  	v15 =	vld [tilespmem:s0+$0x4030];
	v2 =	vcvt.s32.f32 v2;
	v4 =	vmul.f32 $8.192000120e+02, v4  }
0xbd: {  	v8 =	vcvt.s32.f32 v8;
	v7 =	vmul.f32 $8.192000120e+02, v7  }
0xbe: {  	v10 =	vcvt.s32.f32 v10;
	v11 =	vcvt.s32.f32 v11  }
0xbf: {  	v9 =	vcvt.s32.f32 v9;
	v12 =	vcvt.s32.f32 v12  }
0xc0: {  	v13 =	vmul.f32 $8.192000120e+02, v13;
	v14 =	vcvt.s32.f32 v14  }
0xc1: {  	v18 =	vld [tilespmem:s0+$0x6010];
	v15 =	vmul.f32 $8.192000120e+02, v15;
	v16 =	vadd.f32 v2, v2;
	v17 =	vadd.f32 v8, v8  }
0xc2: {  	v19 =	vadd.f32 v10, v10;
	v20 =	vadd.f32 v11, v11;
	v2 =	vmul.f32 $1.638400000e+04, v2  }
0xc3: {  	v8 =	vmul.f32 $1.638400000e+04, v8;
	v16 =	vadd.f32 $-1.000000000e+00, v16;
	v17 =	vadd.f32 $-1.000000000e+00, v17  }
0xc4: {  	v21 =	vadd.f32 v9, v9;
	v11 =	vmul.f32 $1.638400000e+04, v11;
	v9 =	vmul.f32 $1.638400000e+04, v9  }
0xc5: {  	v20 =	vadd.f32 $-1.000000000e+00, v20;
	v13 =	vmul.f32 v16, v13;
	v3 =	vmul.f32 v17, v3  }
0xc6: {  	v22 =	vld [tilespmem:s0+$0x4010];
	v16 =	vadd.f32 v14, v14;
	v17 =	vcvt.s32.f32 v18;
	v18 =	vadd.f32 v12, v12  }
0xc7: {  	v5 =	vmul.f32 v20, v5;
	v13 =	vadd.f32 $8.192000000e+03, v13;
	v3 =	vadd.f32 $8.192000000e+03, v3  }
0xc8: {  	v14 =	vmul.f32 $1.638400000e+04, v14;
	v16 =	vadd.f32 $-1.000000000e+00, v16;
	v23 =	vadd.f32 v17, v17  }
0xc9: {  	s25 =	simm.s32 $0x80;
	s0 =	simm.s32 $0x400;
	v5 =	vadd.f32 $8.192000000e+03, v5;
	v13 =	vmax.f32 v13, $0.0e+00;
	v3 =	vmax.f32 v3, $0.0e+00  }
0xca: {  	s26 =	simm.s32 $0x20;
	s2 =	sand.u32 $0x1000, s25;
	s25 =	sand.u32 $0xC00, s0;
	v4 =	vmul.f32 v16, v4;
	v16 =	vadd.f32 $-1.000000000e+00, v19;
	v13 =	vmin.f32 v13, $1.638300000e+04  }
0xcb: {  	s24 =	sand.u32 $0x380, s26;
	s2 =	sor.u32 s25, s2;
	v19 =	vmul.f32 $8.192000120e+02, v22;
	v3 =	vmin.f32 v3, $1.638300000e+04;
	v2 =	vadd.f32 v13, v2  }
0xcc: {  	s2 =	sor.u32 s24, s2;
	v3 =	vadd.f32 v3, v8;
	v8 =	vmul.f32 $1.638400000e+04, v17;
	v17 =	vadd.f32 $-1.000000000e+00, v23  }
0xcd: {  	v25 =	vld [tilespmem:s2+$0x6030];
	v5 =	vmax.f32 v5, $0.0e+00;
	v13 =	vadd.f32 $-1.000000000e+00, v21;
	v6 =	vmul.f32 v16, v6  }
0xce: {  	v5 =	vmin.f32 v5, $1.638300000e+04;
	v16 =	vld [tilespmem:s2+$0x6070];
	v2 =	vtrunc.f32 v2;
	v17 =	vmul.f32 v17, v19  }
0xcf: {  	v5 =	vadd.f32 v5, v11;
	v13 =	vmul.f32 v13, v15;
	v15 =	vld [tilespmem:s2+$0x4020];
	v3 =	vtrunc.f32 v3  }
0xd0: {  	v4 =	vadd.f32 $8.192000000e+03, v4;
	v19 =	vmul.f32 $1.638400000e+04, v10;
	v10 =	vld [tilespmem:s2+$0x4040];
	v20 =	vcvt.f32.s32 v2  }
0xd1: {  	v2 =	vld [tilespmem:s2+$0x4000];
	v24 =	vcvt.f32.s32 v3;
	v3 =	vadd.f32 $8.192000000e+03, v13;
	v13 =	vadd.f32 $8.192000000e+03, v17  }
0xd2: {  	v11 =	vld [tilespmem:s2+$0x4050];
	v5 =	vtrunc.f32 v5;
	v4 =	vmax.f32 v4, $0.0e+00;
	v23 =	vadd.f32 $8.192000000e+03, v6  }
0xd3: {  	v27 =	vld [tilespmem:s2+$0x6050];
	v21 =	vcvt.f32.s32 v5;
	v4 =	vmin.f32 v4, $1.638300000e+04;
	v13 =	vmax.f32 v13, $0.0e+00  }
0xd4: {  	v5 =	vld [tilespmem:s2+$0x4060];
	v16 =	vcvt.s32.f32 v16;
	v3 =	vmax.f32 v3, $0.0e+00;
	v13 =	vmin.f32 v13, $1.638300000e+04  }
0xd5: {  	v17 =	vld [tilespmem:s2+$0x6000];
	v22 =	vmin.f32 v3, $1.638300000e+04;
	v6 =	vmul.f32 $8.192000120e+02, v15;
	v3 =	vmul.f32 $8.192000120e+02, v10  }
0xd6: {  	v8 =	vadd.f32 v13, v8;
	v26 =	vmul.f32 $8.192000120e+02, v2;
	v13 =	vld [tilespmem:s2+$0x6040];
	v2 =	vadd.f32 v4, v14  }
0xd7: {  	v10 =	vmul.f32 $8.192000120e+02, v11;
	v4 =	vld [tilespmem:s2+$0x6020];
	v14 =	vmax.f32 v23, $0.0e+00;
	v23 =	vadd.f32 $-1.000000000e+00, v18  }
0xd8: {  	v15 =	vmul.f32 $1.638400000e+04, v12;
	v12 =	vld [tilespmem:s2+$0x6060];
	v14 =	vmin.f32 v14, $1.638300000e+04;
	v28 =	vtrunc.f32 v2  }
0xd9: {  	v2 =	vmul.f32 $8.192000120e+02, v5;
	v5 =	vmul.f32 v23, v7;
	v7 =	vadd.f32 v14, v19  }
0xda: {  	v29 =	vld [tilespmem:s2+$0x4030];
	v11 =	vcvt.s32.f32 v17;
	v18 =	vtrunc.f32 v8  }
0xdb: {  	v30 =	vld [tilespmem:s2+$0x4070];
	v9 =	vadd.f32 v22, v9;
	v14 =	vtrunc.f32 v7;
	v7 =	vcvt.s32.f32 v27  }
0xdc: {  	v19 =	vld [tilespmem:s2+$0x6010];
	v23 =	vadd.f32 v11, v11;
	v8 =	vcvt.s32.f32 v13;
	v13 =	vcvt.s32.f32 v4  }
0xdd: {  	v4 =	vcvt.s32.f32 v25;
	v25 =	vadd.f32 $8.192000000e+03, v5;
	v5 =	vcvt.s32.f32 v12  }
0xde: {  	v12 =	vadd.f32 v16, v16;
	v31 =	vcvt.f32.s32 v14;
	v63 =	vadd.f32 $-1.000000000e+00, v23  }
0xdf: {  	v14 =	vmul.f32 $8.192000120e+02, v29;
	v29 =	vadd.f32 v7, v7;
	v17 =	vadd.f32 v8, v8  }
0xe0: {  	[tilespmem:v20+s21+$0x0] =	vst.idx.add.s32.msk $0xffff, v1;
	v27 =	vmul.f32 $8.192000120e+02, v30;
	v22 =	vadd.f32 v13, v13;
	v12 =	vadd.f32 $-1.000000000e+00, v12  }
0xe1: {  	[tilespmem:v21+s21+$0x0] =	vst.idx.add.s32.msk $0xffff, v1;
	v25 =	vmax.f32 v25, $0.0e+00;
	v21 =	vcvt.s32.f32 v19;
	v19 =	vtrunc.f32 v9  }
0xe2: {  	v20 =	vld [tilespmem:s2+$0x4010];
	v23 =	vadd.f32 v4, v4;
	v9 =	vadd.f32 v5, v5;
	v12 =	vmul.f32 v12, v27  }
0xe3: {  	[tilespmem:v24+s21+$0x0] =	vst.idx.add.s32.msk $0xffff, v1;
	v24 =	vadd.f32 $-1.000000000e+00, v29;
	v25 =	vmin.f32 v25, $1.638300000e+04;
	v27 =	vmul.f32 v63, v26  }
0xe4: {  	s2 =	simm.s32 $0x8;
	v26 =	vadd.f32 $8.192000000e+03, v12;
	v12 =	vcvt.f32.s32 v19;
	[tilespmem:v31+s21+$0x0] =	vst.idx.add.s32.msk $0xffff, v1;
	v19 =	vcvt.f32.s32 v28  }
.LBB2_7:
0xe5: {  	s2 =	sadd.s32 $0x8, s2;
	v27 =	vadd.f32 $8.192000000e+03, v27;
	v16 =	vmul.f32 $1.638400000e+04, v16;
	s0 =	sadd.s32 $0x400, s0;
	v18 =	vcvt.f32.s32 v18  }
0xe6: {  	v28 =	vadd.f32 v21, v21;
	v15 =	vadd.f32 v25, v15;
	s24 =	sshll.u32 s2, $0x4;
	s25 =	sshll.u32 s2, $0x2;
	p0 =	slt.u32 s2, $0x1F8;
	v26 =	vmax.f32 v26, $0.0e+00  }
0xe7: {  	v22 =	vadd.f32 $-1.000000000e+00, v22;
	s26 =	sand.u32 $0xC00, s0;
	s24 =	sand.u32 $0x1000, s24;
	v25 =	vmax.f32 v27, $0.0e+00;
	v26 =	vmin.f32 v26, $1.638300000e+04  }
0xe8: {  	v10 =	vmul.f32 v24, v10;
	s25 =	sand.u32 $0x380, s25;
	v15 =	vtrunc.f32 v15;
	s24 =	sor.u32 s26, s24;
	v16 =	vadd.f32 v26, v16  }
0xe9: {  	v11 =	vmul.f32 $1.638400000e+04, v11;
	v6 =	vmul.f32 v22, v6;
	v24 =	vmin.f32 v25, $1.638300000e+04;
	s24 =	sor.u32 s25, s24  }
0xea: {  	v20 =	vmul.f32 $8.192000120e+02, v20;
	v17 =	vadd.f32 $-1.000000000e+00, v17;
	v22 =	vadd.f32 $-1.000000000e+00, v23;
	[tilespmem:v19+s21+$0x0] =	vst.idx.add.s32.msk $0xffff, v1  }
0xeb: {  	v21 =	vmul.f32 $1.638400000e+04, v21;
	v11 =	vadd.f32 v24, v11;
	v6 =	vadd.f32 $8.192000000e+03, v6;
	v19 =	vld [tilespmem:s24+$0x6070]  }
0xec: {  	v13 =	vmul.f32 $1.638400000e+04, v13;
	v23 =	vadd.f32 $-1.000000000e+00, v28;
	v16 =	vtrunc.f32 v16;
	[tilespmem:v18+s21+$0x0] =	vst.idx.add.s32.msk $0xffff, v1  }
0xed: {  	v15 =	vcvt.f32.s32 v15;
	v6 =	vmax.f32 v6, $0.0e+00;
	v24 =	vcvt.f32.s32 v16;
	v18 =	vld [tilespmem:s24+$0x4000]  }
0xee: {  	v20 =	vmul.f32 v23, v20;
	v14 =	vmul.f32 v22, v14;
	v6 =	vmin.f32 v6, $1.638300000e+04;
	v16 =	vld [tilespmem:s24+$0x4050]  }
0xef: {  	v11 =	vtrunc.f32 v11;
	v6 =	vadd.f32 v6, v13;
	v13 =	vmul.f32 $1.638400000e+04, v8;
	v22 =	vld [tilespmem:s24+$0x4020]  }
0xf0: {  	v10 =	vadd.f32 $8.192000000e+03, v10;
	v23 =	vcvt.f32.s32 v11;
	v11 =	vadd.f32 $8.192000000e+03, v14;
	v8 =	vld [tilespmem:s24+$0x4040]  }
0xf1: {  	v3 =	vmul.f32 v17, v3;
	v14 =	vadd.f32 $8.192000000e+03, v20;
	v6 =	vtrunc.f32 v6;
	[tilespmem:v12+s21+$0x0] =	vst.idx.add.s32.msk $0xffff, v1  }
0xf2: {  	v10 =	vmax.f32 v10, $0.0e+00;
	v25 =	vcvt.f32.s32 v6;
	v6 =	vmax.f32 v11, $0.0e+00;
	v12 =	vld [tilespmem:s24+$0x4060]  }
0xf3: {  	v7 =	vmul.f32 $1.638400000e+04, v7;
	v17 =	vmin.f32 v10, $1.638300000e+04;
	v14 =	vmax.f32 v14, $0.0e+00;
	v11 =	vld [tilespmem:s24+$0x6000]  }
0xf4: {  	v20 =	vadd.f32 $8.192000000e+03, v3;
	v10 =	vmin.f32 v14, $1.638300000e+04;
	v14 =	vmin.f32 v6, $1.638300000e+04;
	[tilespmem:v15+s21+$0x0] =	vst.idx.add.s32.msk $0xffff, v1  }
0xf5: {  	v6 =	vmul.f32 $8.192000120e+02, v22;
	v22 =	vld [tilespmem:s24+$0x6030];
	v3 =	vmul.f32 $8.192000120e+02, v8;
	v8 =	vadd.f32 v10, v21  }
0xf6: {  	v7 =	vadd.f32 v17, v7;
	v26 =	vmul.f32 $8.192000120e+02, v18;
	v10 =	vmul.f32 $8.192000120e+02, v16;
	v21 =	vld [tilespmem:s24+$0x6040]  }
0xf7: {  	v4 =	vmul.f32 $1.638400000e+04, v4;
	v20 =	vmax.f32 v20, $0.0e+00;
	v15 =	vmul.f32 $1.638400000e+04, v5;
	v17 =	vld [tilespmem:s24+$0x6020]  }
0xf8: {  	v16 =	vcvt.s32.f32 v19;
	v19 =	vtrunc.f32 v7;
	v7 =	vadd.f32 $-1.000000000e+00, v9;
	v5 =	vld [tilespmem:s24+$0x6060]  }
0xf9: {  	v20 =	vmin.f32 v20, $1.638300000e+04;
	v18 =	vtrunc.f32 v8;
	v11 =	vcvt.s32.f32 v11;
	v9 =	vld [tilespmem:s24+$0x6050]  }
0xfa: {  	v28 =	vadd.f32 v14, v4;
	v7 =	vmul.f32 v7, v2;
	v2 =	vmul.f32 $8.192000120e+02, v12;
	v27 =	vld [tilespmem:s24+$0x4030]  }
0xfb: {  	v14 =	vadd.f32 v20, v13;
	v12 =	vadd.f32 v11, v11;
	v8 =	vcvt.s32.f32 v21;
	v21 =	vld [tilespmem:s24+$0x4070]  }
0xfc: {  	v30 =	vadd.f32 $8.192000000e+03, v7;
	v4 =	vcvt.s32.f32 v22;
	v29 =	vld [tilespmem:s24+$0x6010];
	v13 =	vcvt.s32.f32 v17  }
0xfd: {  	v14 =	vtrunc.f32 v14;
	v31 =	vadd.f32 v16, v16;
	v5 =	vcvt.s32.f32 v5;
	[tilespmem:v24+s21+$0x0] =	vst.idx.add.s32.msk $0xffff, v1  }
0xfe: {  	v32 =	vcvt.f32.s32 v14;
	v17 =	vadd.f32 v8, v8;
	v20 =	vld [tilespmem:s24+$0x4010];
	v7 =	vcvt.s32.f32 v9  }
0xff: {  	v24 =	vadd.f32 $-1.000000000e+00, v31;
	v22 =	vadd.f32 v13, v13;
	v14 =	vmul.f32 $8.192000120e+02, v27;
	[tilespmem:v25+s21+$0x0] =	vst.idx.add.s32.msk $0xffff, v1  }
.Ltmp2:
0x100: {  	v30 =	vmax.f32 v30, $0.0e+00;
	v25 =	vadd.f32 v7, v7;
	v27 =	vmul.f32 $8.192000120e+02, v21;
	[tilespmem:v23+s21+$0x0] =	vst.idx.add.s32.msk $0xffff, v1;
	(pc) =	sbr.rel @p0 .LBB2_7-.Ltmp2, $4  }
0x101: {  	v28 =	vtrunc.f32 v28;
	v12 =	vadd.f32 $-1.000000000e+00, v12;
	v21 =	vcvt.s32.f32 v29  }
0x102: {  	v9 =	vadd.f32 v5, v5;
	v23 =	vadd.f32 v4, v4;
	v29 =	vmul.f32 v24, v27  }
0x103: {  	v27 =	vmul.f32 v12, v26;
	v24 =	vadd.f32 $-1.000000000e+00, v25;
	v25 =	vmin.f32 v30, $1.638300000e+04  }
0x104: {  	v19 =	vcvt.f32.s32 v19;
	v12 =	vcvt.f32.s32 v28;
	v26 =	vadd.f32 $8.192000000e+03, v29;
	[tilespmem:v32+s21+$0x0] =	vst.idx.add.s32.msk $0xffff, v1  }
0x105: {  	v27 =	vadd.f32 $8.192000000e+03, v27  }
0x106: {  	v16 =	vmul.f32 $1.638400000e+04, v16;
	v18 =	vcvt.f32.s32 v18;
	v28 =	vadd.f32 v21, v21  }
0x107: {  	v15 =	vadd.f32 v25, v15;
	v22 =	vadd.f32 $-1.000000000e+00, v22;
	v10 =	vmul.f32 v24, v10  }
0x108: {  	v11 =	vmul.f32 $1.638400000e+04, v11;
	v23 =	vadd.f32 $-1.000000000e+00, v23;
	v20 =	vmul.f32 $8.192000120e+02, v20  }
0x109: {  	v17 =	vadd.f32 $-1.000000000e+00, v17;
	v56 =	vmul.f32 $1.638400000e+04, v21;
	v13 =	vmul.f32 $1.638400000e+04, v13  }
0x10a: {  	v8 =	vmul.f32 $1.638400000e+04, v8;
	v9 =	vadd.f32 $-1.000000000e+00, v9;
	v7 =	vmul.f32 $1.638400000e+04, v7  }
0x10b: {  	v4 =	vmul.f32 $1.638400000e+04, v4;
	v5 =	vmul.f32 $1.638400000e+04, v5;
	v53 =	vmax.f32 v26, $0.0e+00  }
0x10c: {  	v54 =	vmax.f32 v27, $0.0e+00;
	v25 =	vmin.f32 v53, $1.638300000e+04;
	v15 =	vtrunc.f32 v15  }
0x10d: {  	v6 =	vmul.f32 v22, v6;
	v57 =	vadd.f32 $-1.000000000e+00, v28;
	v14 =	vmul.f32 v23, v14  }
0x10e: {  	v3 =	vmul.f32 v17, v3;
	v10 =	vadd.f32 $8.192000000e+03, v10;
	v2 =	vmul.f32 v9, v2  }
0x10f: {  	v16 =	vadd.f32 v25, v16;
	v55 =	vmin.f32 v54, $1.638300000e+04;
	v15 =	vcvt.f32.s32 v15  }
0x110: {  	v11 =	vadd.f32 v55, v11;
	v6 =	vadd.f32 $8.192000000e+03, v6;
	v20 =	vmul.f32 v57, v20  }
0x111: {  	v58 =	vadd.f32 $8.192000000e+03, v14;
	v3 =	vadd.f32 $8.192000000e+03, v3;
	v10 =	vmax.f32 v10, $0.0e+00  }
0x112: {  	v2 =	vadd.f32 $8.192000000e+03, v2;
	v16 =	vtrunc.f32 v16;
	v10 =	vmin.f32 v10, $1.638300000e+04  }
0x113: {  	v6 =	vmax.f32 v6, $0.0e+00;
	v16 =	vcvt.f32.s32 v16;
	v11 =	vtrunc.f32 v11  }
0x114: {  	v59 =	vadd.f32 $8.192000000e+03, v20;
	v3 =	vmax.f32 v3, $0.0e+00;
	v7 =	vadd.f32 v10, v7  }
0x115: {  	v2 =	vmax.f32 v2, $0.0e+00;
	v6 =	vmin.f32 v6, $1.638300000e+04;
	v11 =	vcvt.f32.s32 v11  }
0x116: {  	v3 =	vmin.f32 v3, $1.638300000e+04;
	v2 =	vmin.f32 v2, $1.638300000e+04;
	v6 =	vadd.f32 v6, v13  }
0x117: {  	v13 =	vmax.f32 v58, $0.0e+00;
	v14 =	vmax.f32 v59, $0.0e+00;
	v3 =	vadd.f32 v3, v8  }
0x118: {  	v7 =	vtrunc.f32 v7;
	v2 =	vadd.f32 v2, v5;
	v60 =	vmin.f32 v14, $1.638300000e+04  }
0x119: {  	[tilespmem:v19+s21+$0x0] =	vst.idx.add.s32.msk $0xffff, v1;
	v61 =	vmin.f32 v13, $1.638300000e+04;
	v7 =	vcvt.f32.s32 v7;
	v6 =	vtrunc.f32 v6  }
0x11a: {  	[tilespmem:v12+s21+$0x0] =	vst.idx.add.s32.msk $0xffff, v1;
	v62 =	vadd.f32 v60, v56;
	v3 =	vtrunc.f32 v3;
	v6 =	vcvt.f32.s32 v6  }
0x11b: {  	[tilespmem:v18+s21+$0x0] =	vst.idx.add.s32.msk $0xffff, v1;
	v4 =	vadd.f32 v61, v4;
	v2 =	vtrunc.f32 v2;
	v3 =	vcvt.f32.s32 v3  }
0x11c: {  	[tilespmem:v15+s21+$0x0] =	vst.idx.add.s32.msk $0xffff, v1;
	v2 =	vcvt.f32.s32 v2;
	v8 =	vtrunc.f32 v62  }
0x11d: {  	v4 =	vtrunc.f32 v4;
	[tilespmem:v16+s21+$0x0] =	vst.idx.add.s32.msk $0xffff, v1;
	v63 =	vcvt.f32.s32 v8  }
0x11e: {  	v4 =	vcvt.f32.s32 v4;
	[tilespmem:v11+s21+$0x0] =	vst.idx.add.s32.msk $0xffff, v1  }
0x11f: {  	[tilespmem:v7+s21+$0x0] =	vst.idx.add.s32.msk $0xffff, v1  }
0x120: {  	s0 =	sadd.s32 s31, s11;
	[tilespmem:v6+s21+$0x0] =	vst.idx.add.s32.msk $0xffff, v1  }
0x121: {  	s30 =	sadd.s32 $0x1, s30;
	s0 =	sshll.u32 s0, $0x9;
	[tilespmem:v3+s21+$0x0] =	vst.idx.add.s32.msk $0xffff, v1  }
0x122: {  	p0 =	sne.s32 s30, $0x7;
	s0 =	sadd.s32 s5, s0;
	[tilespmem:v2+s21+$0x0] =	vst.idx.add.s32.msk $0xffff, v1  }
.Ltmp3:
0x123: {  	s0 =	sshrl.u32 s0, $0x3;
	[tilespmem:v63+s21+$0x0] =	vst.idx.add.s32.msk $0xffff, v1;
	(pc) =	sbr.rel @p0 .LBB2_4-.Ltmp3, $4  }
0x124: {  	s2 =	sadd.s32 s1, s0;
	[tilespmem:v4+s21+$0x0] =	vst.idx.add.s32.msk $0xffff, v1  }
0x125: {  	[tilespmem:s18], [sflag:$0x2] =	stream.linear.gather [hbm4b:s2+s4], $0x2000, $0x38;
	[tilespmem:$0x10000] =	vst v63  }
0x126: {  	s0 =	sadd.s32 s3, s0  }
0x127: {  	[tilespmem:s19], [sflag:$0x2] =	stream.linear.gather [hbm4b:s0+s4], $0x2000, $0x38;
	[tilespmem:$0x10000] =	vst v63  }
0x128: {  	_ =	swait.ge [sflag:s20], $0x2000  }
0x129: {  	s0 =	simm.s32 $0x0;
	[sflag:s20] =	ssyncset.done $0x0  }
0x12a: {  	s2 =	simm.s32 $0x0;
	s24 =	simm.s32 $0x0;
	[sflag:s20] =	ssyncadd.s32 $0xFFFFE000  }
0x12b: {  	s2 =	sand.u32 $0x1000, s2;
	s0 =	sand.u32 $0xC00, s0;
	_ =	swait.ge [sflag:s20], $0x2000  }
0x12c: {  	s26 =	sand.u32 $0x380, s24;
	s0 =	sor.u32 s0, s2;
	[sflag:s20] =	ssyncset.done $0x0  }
0x12d: {  	s0 =	sor.u32 s26, s0;
	[sflag:s20] =	ssyncadd.s32 $0xFFFFE000  }
0x12e: {  	v2 =	vld [tilespmem:s0+$0x2070]  }
0x12f: {  	v3 =	vld [tilespmem:s0+$0x0]  }
0x130: {  	v4 =	vld [tilespmem:s0+$0x50]  }
0x131: {  	v5 =	vld [tilespmem:s0+$0x20]  }
0x132: {  	v6 =	vld [tilespmem:s0+$0x40]  }
0x133: {  	v7 =	vld [tilespmem:s0+$0x60]  }
0x134: {  	v8 =	vld [tilespmem:s0+$0x2000]  }
0x135: {  	v9 =	vld [tilespmem:s0+$0x2030]  }
0x136: {  	v10 =	vld [tilespmem:s0+$0x2040]  }
0x137: {  	v11 =	vld [tilespmem:s0+$0x2020]  }
0x138: {  	v12 =	vld [tilespmem:s0+$0x2060]  }
0x139: {  	v13 =	vld [tilespmem:s0+$0x70];
	v5 =	vmul.f32 $8.192000120e+02, v5  }
0x13a: {  	v14 =	vld [tilespmem:s0+$0x2050];
	v6 =	vmul.f32 $8.192000120e+02, v6;
	v3 =	vmul.f32 $8.192000120e+02, v3  }
0x13b: {  	v15 =	vld [tilespmem:s0+$0x30];
	v2 =	vcvt.s32.f32 v2;
	v4 =	vmul.f32 $8.192000120e+02, v4  }
0x13c: {  	v8 =	vcvt.s32.f32 v8;
	v7 =	vmul.f32 $8.192000120e+02, v7  }
0x13d: {  	v10 =	vcvt.s32.f32 v10;
	v11 =	vcvt.s32.f32 v11  }
0x13e: {  	v9 =	vcvt.s32.f32 v9;
	v12 =	vcvt.s32.f32 v12  }
0x13f: {  	v13 =	vmul.f32 $8.192000120e+02, v13;
	v14 =	vcvt.s32.f32 v14  }
0x140: {  	v18 =	vld [tilespmem:s0+$0x2010];
	v15 =	vmul.f32 $8.192000120e+02, v15;
	v16 =	vadd.f32 v2, v2;
	v17 =	vadd.f32 v8, v8  }
0x141: {  	v19 =	vadd.f32 v10, v10;
	v20 =	vadd.f32 v11, v11;
	v2 =	vmul.f32 $1.638400000e+04, v2  }
0x142: {  	v8 =	vmul.f32 $1.638400000e+04, v8;
	v16 =	vadd.f32 $-1.000000000e+00, v16;
	v17 =	vadd.f32 $-1.000000000e+00, v17  }
0x143: {  	v21 =	vadd.f32 v9, v9;
	v11 =	vmul.f32 $1.638400000e+04, v11;
	v9 =	vmul.f32 $1.638400000e+04, v9  }
0x144: {  	v20 =	vadd.f32 $-1.000000000e+00, v20;
	v13 =	vmul.f32 v16, v13;
	v3 =	vmul.f32 v17, v3  }
0x145: {  	v22 =	vld [tilespmem:s0+$0x10];
	v16 =	vadd.f32 v14, v14;
	v17 =	vcvt.s32.f32 v18;
	v18 =	vadd.f32 v12, v12  }
0x146: {  	v5 =	vmul.f32 v20, v5;
	v13 =	vadd.f32 $8.192000000e+03, v13;
	v3 =	vadd.f32 $8.192000000e+03, v3  }
0x147: {  	v14 =	vmul.f32 $1.638400000e+04, v14;
	v16 =	vadd.f32 $-1.000000000e+00, v16;
	v23 =	vadd.f32 v17, v17  }
0x148: {  	s30 =	simm.s32 $0x80;
	s0 =	simm.s32 $0x400;
	v5 =	vadd.f32 $8.192000000e+03, v5;
	v13 =	vmax.f32 v13, $0.0e+00;
	v3 =	vmax.f32 v3, $0.0e+00  }
0x149: {  	s31 =	simm.s32 $0x20;
	s2 =	sand.u32 $0x1000, s30;
	s25 =	sand.u32 $0xC00, s0;
	v4 =	vmul.f32 v16, v4;
	v16 =	vadd.f32 $-1.000000000e+00, v19;
	v13 =	vmin.f32 v13, $1.638300000e+04  }
0x14a: {  	s24 =	sand.u32 $0x380, s31;
	s2 =	sor.u32 s25, s2;
	v19 =	vmul.f32 $8.192000120e+02, v22;
	v3 =	vmin.f32 v3, $1.638300000e+04;
	v2 =	vadd.f32 v13, v2  }
0x14b: {  	s2 =	sor.u32 s24, s2;
	v3 =	vadd.f32 v3, v8;
	v8 =	vmul.f32 $1.638400000e+04, v17;
	v17 =	vadd.f32 $-1.000000000e+00, v23  }
0x14c: {  	v25 =	vld [tilespmem:s2+$0x2030];
	v5 =	vmax.f32 v5, $0.0e+00;
	v13 =	vadd.f32 $-1.000000000e+00, v21;
	v6 =	vmul.f32 v16, v6  }
0x14d: {  	v5 =	vmin.f32 v5, $1.638300000e+04;
	v16 =	vld [tilespmem:s2+$0x2070];
	v2 =	vtrunc.f32 v2;
	v17 =	vmul.f32 v17, v19  }
0x14e: {  	v5 =	vadd.f32 v5, v11;
	v13 =	vmul.f32 v13, v15;
	v15 =	vld [tilespmem:s2+$0x20];
	v3 =	vtrunc.f32 v3  }
0x14f: {  	v4 =	vadd.f32 $8.192000000e+03, v4;
	v19 =	vmul.f32 $1.638400000e+04, v10;
	v10 =	vld [tilespmem:s2+$0x40];
	v20 =	vcvt.f32.s32 v2  }
0x150: {  	v2 =	vld [tilespmem:s2+$0x0];
	v24 =	vcvt.f32.s32 v3;
	v3 =	vadd.f32 $8.192000000e+03, v13;
	v13 =	vadd.f32 $8.192000000e+03, v17  }
0x151: {  	v11 =	vld [tilespmem:s2+$0x50];
	v5 =	vtrunc.f32 v5;
	v4 =	vmax.f32 v4, $0.0e+00;
	v23 =	vadd.f32 $8.192000000e+03, v6  }
0x152: {  	v27 =	vld [tilespmem:s2+$0x2050];
	v21 =	vcvt.f32.s32 v5;
	v4 =	vmin.f32 v4, $1.638300000e+04;
	v13 =	vmax.f32 v13, $0.0e+00  }
0x153: {  	v5 =	vld [tilespmem:s2+$0x60];
	v16 =	vcvt.s32.f32 v16;
	v3 =	vmax.f32 v3, $0.0e+00;
	v13 =	vmin.f32 v13, $1.638300000e+04  }
0x154: {  	v17 =	vld [tilespmem:s2+$0x2000];
	v22 =	vmin.f32 v3, $1.638300000e+04;
	v6 =	vmul.f32 $8.192000120e+02, v15;
	v3 =	vmul.f32 $8.192000120e+02, v10  }
0x155: {  	v8 =	vadd.f32 v13, v8;
	v26 =	vmul.f32 $8.192000120e+02, v2;
	v13 =	vld [tilespmem:s2+$0x2040];
	v2 =	vadd.f32 v4, v14  }
0x156: {  	v10 =	vmul.f32 $8.192000120e+02, v11;
	v4 =	vld [tilespmem:s2+$0x2020];
	v14 =	vmax.f32 v23, $0.0e+00;
	v23 =	vadd.f32 $-1.000000000e+00, v18  }
0x157: {  	v15 =	vmul.f32 $1.638400000e+04, v12;
	v12 =	vld [tilespmem:s2+$0x2060];
	v14 =	vmin.f32 v14, $1.638300000e+04;
	v28 =	vtrunc.f32 v2  }
0x158: {  	v2 =	vmul.f32 $8.192000120e+02, v5;
	v5 =	vmul.f32 v23, v7;
	v7 =	vadd.f32 v14, v19  }
0x159: {  	v29 =	vld [tilespmem:s2+$0x30];
	v11 =	vcvt.s32.f32 v17;
	v18 =	vtrunc.f32 v8  }
0x15a: {  	v30 =	vld [tilespmem:s2+$0x70];
	v9 =	vadd.f32 v22, v9;
	v14 =	vtrunc.f32 v7;
	v7 =	vcvt.s32.f32 v27  }
0x15b: {  	v19 =	vld [tilespmem:s2+$0x2010];
	v23 =	vadd.f32 v11, v11;
	v8 =	vcvt.s32.f32 v13;
	v13 =	vcvt.s32.f32 v4  }
0x15c: {  	v4 =	vcvt.s32.f32 v25;
	v25 =	vadd.f32 $8.192000000e+03, v5;
	v5 =	vcvt.s32.f32 v12  }
0x15d: {  	v12 =	vadd.f32 v16, v16;
	v31 =	vcvt.f32.s32 v14;
	v63 =	vadd.f32 $-1.000000000e+00, v23  }
0x15e: {  	v14 =	vmul.f32 $8.192000120e+02, v29;
	v29 =	vadd.f32 v7, v7;
	v17 =	vadd.f32 v8, v8  }
0x15f: {  	[tilespmem:v20+s21+$0x0] =	vst.idx.add.s32.msk $0xffff, v1;
	v27 =	vmul.f32 $8.192000120e+02, v30;
	v22 =	vadd.f32 v13, v13;
	v12 =	vadd.f32 $-1.000000000e+00, v12  }
0x160: {  	[tilespmem:v21+s21+$0x0] =	vst.idx.add.s32.msk $0xffff, v1;
	v25 =	vmax.f32 v25, $0.0e+00;
	v21 =	vcvt.s32.f32 v19;
	v19 =	vtrunc.f32 v9  }
0x161: {  	v20 =	vld [tilespmem:s2+$0x10];
	v23 =	vadd.f32 v4, v4;
	v9 =	vadd.f32 v5, v5;
	v12 =	vmul.f32 v12, v27  }
0x162: {  	[tilespmem:v24+s21+$0x0] =	vst.idx.add.s32.msk $0xffff, v1;
	v24 =	vadd.f32 $-1.000000000e+00, v29;
	v25 =	vmin.f32 v25, $1.638300000e+04;
	v27 =	vmul.f32 v63, v26  }
0x163: {  	s2 =	simm.s32 $0x8;
	v26 =	vadd.f32 $8.192000000e+03, v12;
	v12 =	vcvt.f32.s32 v19;
	[tilespmem:v31+s21+$0x0] =	vst.idx.add.s32.msk $0xffff, v1;
	v19 =	vcvt.f32.s32 v28  }
.LBB2_10:
0x164: {  	s2 =	sadd.s32 $0x8, s2;
	v27 =	vadd.f32 $8.192000000e+03, v27;
	v16 =	vmul.f32 $1.638400000e+04, v16;
	s0 =	sadd.s32 $0x400, s0;
	v18 =	vcvt.f32.s32 v18  }
0x165: {  	v28 =	vadd.f32 v21, v21;
	v15 =	vadd.f32 v25, v15;
	s24 =	sshll.u32 s2, $0x4;
	s25 =	sshll.u32 s2, $0x2;
	p0 =	slt.u32 s2, $0x1F8;
	v26 =	vmax.f32 v26, $0.0e+00  }
0x166: {  	v22 =	vadd.f32 $-1.000000000e+00, v22;
	s26 =	sand.u32 $0xC00, s0;
	s24 =	sand.u32 $0x1000, s24;
	v25 =	vmax.f32 v27, $0.0e+00;
	v26 =	vmin.f32 v26, $1.638300000e+04  }
0x167: {  	v10 =	vmul.f32 v24, v10;
	s25 =	sand.u32 $0x380, s25;
	v15 =	vtrunc.f32 v15;
	s24 =	sor.u32 s26, s24;
	v16 =	vadd.f32 v26, v16  }
0x168: {  	v11 =	vmul.f32 $1.638400000e+04, v11;
	v6 =	vmul.f32 v22, v6;
	v24 =	vmin.f32 v25, $1.638300000e+04;
	s24 =	sor.u32 s25, s24  }
0x169: {  	v20 =	vmul.f32 $8.192000120e+02, v20;
	v17 =	vadd.f32 $-1.000000000e+00, v17;
	v22 =	vadd.f32 $-1.000000000e+00, v23;
	[tilespmem:v19+s21+$0x0] =	vst.idx.add.s32.msk $0xffff, v1  }
0x16a: {  	v21 =	vmul.f32 $1.638400000e+04, v21;
	v11 =	vadd.f32 v24, v11;
	v6 =	vadd.f32 $8.192000000e+03, v6;
	v19 =	vld [tilespmem:s24+$0x2070]  }
0x16b: {  	v13 =	vmul.f32 $1.638400000e+04, v13;
	v23 =	vadd.f32 $-1.000000000e+00, v28;
	v16 =	vtrunc.f32 v16;
	[tilespmem:v18+s21+$0x0] =	vst.idx.add.s32.msk $0xffff, v1  }
0x16c: {  	v15 =	vcvt.f32.s32 v15;
	v6 =	vmax.f32 v6, $0.0e+00;
	v24 =	vcvt.f32.s32 v16;
	v18 =	vld [tilespmem:s24+$0x0]  }
0x16d: {  	v20 =	vmul.f32 v23, v20;
	v14 =	vmul.f32 v22, v14;
	v6 =	vmin.f32 v6, $1.638300000e+04;
	v16 =	vld [tilespmem:s24+$0x50]  }
0x16e: {  	v11 =	vtrunc.f32 v11;
	v6 =	vadd.f32 v6, v13;
	v13 =	vmul.f32 $1.638400000e+04, v8;
	v22 =	vld [tilespmem:s24+$0x20]  }
0x16f: {  	v10 =	vadd.f32 $8.192000000e+03, v10;
	v23 =	vcvt.f32.s32 v11;
	v11 =	vadd.f32 $8.192000000e+03, v14;
	v8 =	vld [tilespmem:s24+$0x40]  }
0x170: {  	v3 =	vmul.f32 v17, v3;
	v14 =	vadd.f32 $8.192000000e+03, v20;
	v6 =	vtrunc.f32 v6;
	[tilespmem:v12+s21+$0x0] =	vst.idx.add.s32.msk $0xffff, v1  }
0x171: {  	v10 =	vmax.f32 v10, $0.0e+00;
	v25 =	vcvt.f32.s32 v6;
	v6 =	vmax.f32 v11, $0.0e+00;
	v12 =	vld [tilespmem:s24+$0x60]  }
0x172: {  	v7 =	vmul.f32 $1.638400000e+04, v7;
	v17 =	vmin.f32 v10, $1.638300000e+04;
	v14 =	vmax.f32 v14, $0.0e+00;
	v11 =	vld [tilespmem:s24+$0x2000]  }
0x173: {  	v20 =	vadd.f32 $8.192000000e+03, v3;
	v10 =	vmin.f32 v14, $1.638300000e+04;
	v14 =	vmin.f32 v6, $1.638300000e+04;
	[tilespmem:v15+s21+$0x0] =	vst.idx.add.s32.msk $0xffff, v1  }
0x174: {  	v6 =	vmul.f32 $8.192000120e+02, v22;
	v22 =	vld [tilespmem:s24+$0x2030];
	v3 =	vmul.f32 $8.192000120e+02, v8;
	v8 =	vadd.f32 v10, v21  }
0x175: {  	v7 =	vadd.f32 v17, v7;
	v26 =	vmul.f32 $8.192000120e+02, v18;
	v10 =	vmul.f32 $8.192000120e+02, v16;
	v21 =	vld [tilespmem:s24+$0x2040]  }
0x176: {  	v4 =	vmul.f32 $1.638400000e+04, v4;
	v20 =	vmax.f32 v20, $0.0e+00;
	v15 =	vmul.f32 $1.638400000e+04, v5;
	v17 =	vld [tilespmem:s24+$0x2020]  }
0x177: {  	v16 =	vcvt.s32.f32 v19;
	v19 =	vtrunc.f32 v7;
	v7 =	vadd.f32 $-1.000000000e+00, v9;
	v5 =	vld [tilespmem:s24+$0x2060]  }
0x178: {  	v20 =	vmin.f32 v20, $1.638300000e+04;
	v18 =	vtrunc.f32 v8;
	v11 =	vcvt.s32.f32 v11;
	v9 =	vld [tilespmem:s24+$0x2050]  }
0x179: {  	v28 =	vadd.f32 v14, v4;
	v7 =	vmul.f32 v7, v2;
	v2 =	vmul.f32 $8.192000120e+02, v12;
	v27 =	vld [tilespmem:s24+$0x30]  }
0x17a: {  	v14 =	vadd.f32 v20, v13;
	v12 =	vadd.f32 v11, v11;
	v8 =	vcvt.s32.f32 v21;
	v21 =	vld [tilespmem:s24+$0x70]  }
0x17b: {  	v30 =	vadd.f32 $8.192000000e+03, v7;
	v4 =	vcvt.s32.f32 v22;
	v29 =	vld [tilespmem:s24+$0x2010];
	v13 =	vcvt.s32.f32 v17  }
0x17c: {  	v14 =	vtrunc.f32 v14;
	v31 =	vadd.f32 v16, v16;
	v5 =	vcvt.s32.f32 v5;
	[tilespmem:v24+s21+$0x0] =	vst.idx.add.s32.msk $0xffff, v1  }
0x17d: {  	v32 =	vcvt.f32.s32 v14;
	v17 =	vadd.f32 v8, v8;
	v20 =	vld [tilespmem:s24+$0x10];
	v7 =	vcvt.s32.f32 v9  }
0x17e: {  	v24 =	vadd.f32 $-1.000000000e+00, v31;
	v22 =	vadd.f32 v13, v13;
	v14 =	vmul.f32 $8.192000120e+02, v27;
	[tilespmem:v25+s21+$0x0] =	vst.idx.add.s32.msk $0xffff, v1  }
.Ltmp4:
0x17f: {  	v30 =	vmax.f32 v30, $0.0e+00;
	v25 =	vadd.f32 v7, v7;
	v27 =	vmul.f32 $8.192000120e+02, v21;
	[tilespmem:v23+s21+$0x0] =	vst.idx.add.s32.msk $0xffff, v1;
	(pc) =	sbr.rel @p0 .LBB2_10-.Ltmp4, $4  }
0x180: {  	v28 =	vtrunc.f32 v28;
	v12 =	vadd.f32 $-1.000000000e+00, v12;
	v21 =	vcvt.s32.f32 v29  }
0x181: {  	v9 =	vadd.f32 v5, v5;
	v23 =	vadd.f32 v4, v4;
	v29 =	vmul.f32 v24, v27  }
0x182: {  	v27 =	vmul.f32 v12, v26;
	v24 =	vadd.f32 $-1.000000000e+00, v25;
	v25 =	vmin.f32 v30, $1.638300000e+04  }
0x183: {  	v19 =	vcvt.f32.s32 v19;
	v12 =	vcvt.f32.s32 v28;
	v26 =	vadd.f32 $8.192000000e+03, v29;
	[tilespmem:v32+s21+$0x0] =	vst.idx.add.s32.msk $0xffff, v1  }
0x184: {  	v27 =	vadd.f32 $8.192000000e+03, v27  }
0x185: {  	v16 =	vmul.f32 $1.638400000e+04, v16;
	v18 =	vcvt.f32.s32 v18;
	v28 =	vadd.f32 v21, v21  }
0x186: {  	v15 =	vadd.f32 v25, v15;
	v22 =	vadd.f32 $-1.000000000e+00, v22;
	v10 =	vmul.f32 v24, v10  }
0x187: {  	v11 =	vmul.f32 $1.638400000e+04, v11;
	v23 =	vadd.f32 $-1.000000000e+00, v23;
	v20 =	vmul.f32 $8.192000120e+02, v20  }
0x188: {  	v17 =	vadd.f32 $-1.000000000e+00, v17;
	v21 =	vmul.f32 $1.638400000e+04, v21;
	v13 =	vmul.f32 $1.638400000e+04, v13  }
0x189: {  	v8 =	vmul.f32 $1.638400000e+04, v8;
	v9 =	vadd.f32 $-1.000000000e+00, v9;
	v7 =	vmul.f32 $1.638400000e+04, v7  }
0x18a: {  	v4 =	vmul.f32 $1.638400000e+04, v4;
	v5 =	vmul.f32 $1.638400000e+04, v5;
	v25 =	vmax.f32 v26, $0.0e+00  }
0x18b: {  	v26 =	vmax.f32 v27, $0.0e+00;
	v15 =	vtrunc.f32 v15;
	v6 =	vmul.f32 v22, v6  }
0x18c: {  	v25 =	vmin.f32 v25, $1.638300000e+04;
	v14 =	vmul.f32 v23, v14;
	v3 =	vmul.f32 v17, v3  }
0x18d: {  	v10 =	vadd.f32 $8.192000000e+03, v10;
	v16 =	vadd.f32 v25, v16;
	v22 =	vmin.f32 v26, $1.638300000e+04  }
0x18e: {  	v2 =	vmul.f32 v9, v2;
	v11 =	vadd.f32 v22, v11;
	v6 =	vadd.f32 $8.192000000e+03, v6  }
0x18f: {  	v15 =	vcvt.f32.s32 v15;
	v22 =	vadd.f32 $-1.000000000e+00, v28;
	v3 =	vadd.f32 $8.192000000e+03, v3  }
0x190: {  	v10 =	vmax.f32 v10, $0.0e+00;
	v2 =	vadd.f32 $8.192000000e+03, v2;
	v16 =	vtrunc.f32 v16  }
0x191: {  	v10 =	vmin.f32 v10, $1.638300000e+04;
	v6 =	vmax.f32 v6, $0.0e+00;
	v16 =	vcvt.f32.s32 v16  }
0x192: {  	v20 =	vmul.f32 v22, v20;
	v11 =	vtrunc.f32 v11;
	v3 =	vmax.f32 v3, $0.0e+00  }
0x193: {  	v7 =	vadd.f32 v10, v7;
	v2 =	vmax.f32 v2, $0.0e+00;
	v6 =	vmin.f32 v6, $1.638300000e+04  }
0x194: {  	v11 =	vcvt.f32.s32 v11;
	v3 =	vmin.f32 v3, $1.638300000e+04;
	v6 =	vadd.f32 v6, v13  }
0x195: {  	v2 =	vmin.f32 v2, $1.638300000e+04;
	v13 =	vadd.f32 $8.192000000e+03, v14;
	v14 =	vadd.f32 $8.192000000e+03, v20  }
0x196: {  	v3 =	vadd.f32 v3, v8;
	v7 =	vtrunc.f32 v7;
	v2 =	vadd.f32 v2, v5  }
0x197: {  	v7 =	vcvt.f32.s32 v7;
	v6 =	vtrunc.f32 v6;
	v14 =	vmax.f32 v14, $0.0e+00  }
0x198: {  	[tilespmem:v19+s21+$0x0] =	vst.idx.add.s32.msk $0xffff, v1;
	v13 =	vmax.f32 v13, $0.0e+00;
	v3 =	vtrunc.f32 v3;
	v9 =	vmin.f32 v14, $1.638300000e+04  }
0x199: {  	[tilespmem:v12+s21+$0x0] =	vst.idx.add.s32.msk $0xffff, v1;
	v6 =	vcvt.f32.s32 v6;
	v10 =	vmin.f32 v13, $1.638300000e+04;
	v8 =	vadd.f32 v9, v21  }
0x19a: {  	[tilespmem:v18+s21+$0x0] =	vst.idx.add.s32.msk $0xffff, v1;
	v2 =	vtrunc.f32 v2;
	v3 =	vcvt.f32.s32 v3;
	v4 =	vadd.f32 v10, v4  }
0x19b: {  	[tilespmem:v15+s21+$0x0] =	vst.idx.add.s32.msk $0xffff, v1;
	v2 =	vcvt.f32.s32 v2;
	v8 =	vtrunc.f32 v8  }
0x19c: {  	[tilespmem:v16+s21+$0x0] =	vst.idx.add.s32.msk $0xffff, v1;
	v4 =	vtrunc.f32 v4;
	v5 =	vcvt.f32.s32 v8  }
0x19d: {  	[tilespmem:v11+s21+$0x0] =	vst.idx.add.s32.msk $0xffff, v1;
	v4 =	vcvt.f32.s32 v4  }
0x19e: {  	[tilespmem:v7+s21+$0x0] =	vst.idx.add.s32.msk $0xffff, v1  }
0x19f: {  	[tilespmem:v6+s21+$0x0] =	vst.idx.add.s32.msk $0xffff, v1  }
0x1a0: {  	[tilespmem:v3+s21+$0x0] =	vst.idx.add.s32.msk $0xffff, v1  }
0x1a1: {  	[tilespmem:v2+s21+$0x0] =	vst.idx.add.s32.msk $0xffff, v1  }
0x1a2: {  	[tilespmem:v5+s21+$0x0] =	vst.idx.add.s32.msk $0xffff, v1  }
0x1a3: {  	[tilespmem:v4+s21+$0x0] =	vst.idx.add.s32.msk $0xffff, v1  }
0x1a4: {  	_ =	swait.ge [sflag:s22], $0x2000  }
0x1a5: {  	s0 =	simm.s32 $0x0;
	[sflag:s22] =	ssyncset.done $0x0  }
0x1a6: {  	s2 =	simm.s32 $0x0;
	s24 =	simm.s32 $0x0;
	[sflag:s22] =	ssyncadd.s32 $0xFFFFE000  }
0x1a7: {  	s2 =	sand.u32 $0x1000, s2;
	s0 =	sand.u32 $0xC00, s0;
	_ =	swait.ge [sflag:s22], $0x2000  }
0x1a8: {  	s26 =	sand.u32 $0x380, s24;
	s0 =	sor.u32 s0, s2;
	[sflag:s22] =	ssyncset.done $0x0  }
0x1a9: {  	s0 =	sor.u32 s26, s0;
	[sflag:s22] =	ssyncadd.s32 $0xFFFFE000  }
0x1aa: {  	v2 =	vld [tilespmem:s0+$0x6070]  }
0x1ab: {  	v3 =	vld [tilespmem:s0+$0x4000]  }
0x1ac: {  	v4 =	vld [tilespmem:s0+$0x4050]  }
0x1ad: {  	v5 =	vld [tilespmem:s0+$0x4020]  }
0x1ae: {  	v6 =	vld [tilespmem:s0+$0x4040]  }
0x1af: {  	v7 =	vld [tilespmem:s0+$0x4060]  }
0x1b0: {  	v8 =	vld [tilespmem:s0+$0x6000]  }
0x1b1: {  	v9 =	vld [tilespmem:s0+$0x6030]  }
0x1b2: {  	v10 =	vld [tilespmem:s0+$0x6040]  }
0x1b3: {  	v11 =	vld [tilespmem:s0+$0x6020]  }
0x1b4: {  	v12 =	vld [tilespmem:s0+$0x6060]  }
0x1b5: {  	v13 =	vld [tilespmem:s0+$0x4070];
	v5 =	vmul.f32 $8.192000120e+02, v5  }
0x1b6: {  	v14 =	vld [tilespmem:s0+$0x6050];
	v6 =	vmul.f32 $8.192000120e+02, v6;
	v3 =	vmul.f32 $8.192000120e+02, v3  }
0x1b7: {  	v15 =	vld [tilespmem:s0+$0x4030];
	v2 =	vcvt.s32.f32 v2;
	v4 =	vmul.f32 $8.192000120e+02, v4  }
0x1b8: {  	v8 =	vcvt.s32.f32 v8;
	v7 =	vmul.f32 $8.192000120e+02, v7  }
0x1b9: {  	v10 =	vcvt.s32.f32 v10;
	v11 =	vcvt.s32.f32 v11  }
0x1ba: {  	v9 =	vcvt.s32.f32 v9;
	v12 =	vcvt.s32.f32 v12  }
0x1bb: {  	v13 =	vmul.f32 $8.192000120e+02, v13;
	v14 =	vcvt.s32.f32 v14  }
0x1bc: {  	v18 =	vld [tilespmem:s0+$0x6010];
	v15 =	vmul.f32 $8.192000120e+02, v15;
	v16 =	vadd.f32 v2, v2;
	v17 =	vadd.f32 v8, v8  }
0x1bd: {  	v19 =	vadd.f32 v10, v10;
	v20 =	vadd.f32 v11, v11;
	v2 =	vmul.f32 $1.638400000e+04, v2  }
0x1be: {  	v8 =	vmul.f32 $1.638400000e+04, v8;
	v16 =	vadd.f32 $-1.000000000e+00, v16;
	v17 =	vadd.f32 $-1.000000000e+00, v17  }
0x1bf: {  	v21 =	vadd.f32 v9, v9;
	v11 =	vmul.f32 $1.638400000e+04, v11;
	v9 =	vmul.f32 $1.638400000e+04, v9  }
0x1c0: {  	v20 =	vadd.f32 $-1.000000000e+00, v20;
	v13 =	vmul.f32 v16, v13;
	v3 =	vmul.f32 v17, v3  }
0x1c1: {  	v22 =	vld [tilespmem:s0+$0x4010];
	v16 =	vadd.f32 v14, v14;
	v17 =	vcvt.s32.f32 v18;
	v18 =	vadd.f32 v12, v12  }
0x1c2: {  	v5 =	vmul.f32 v20, v5;
	v13 =	vadd.f32 $8.192000000e+03, v13;
	v3 =	vadd.f32 $8.192000000e+03, v3  }
0x1c3: {  	v14 =	vmul.f32 $1.638400000e+04, v14;
	v16 =	vadd.f32 $-1.000000000e+00, v16;
	v23 =	vadd.f32 v17, v17  }
0x1c4: {  	s30 =	simm.s32 $0x80;
	s0 =	simm.s32 $0x400;
	v5 =	vadd.f32 $8.192000000e+03, v5;
	v13 =	vmax.f32 v13, $0.0e+00;
	v3 =	vmax.f32 v3, $0.0e+00  }
0x1c5: {  	s31 =	simm.s32 $0x20;
	s2 =	sand.u32 $0x1000, s30;
	s25 =	sand.u32 $0xC00, s0;
	v4 =	vmul.f32 v16, v4;
	v16 =	vadd.f32 $-1.000000000e+00, v19;
	v13 =	vmin.f32 v13, $1.638300000e+04  }
0x1c6: {  	s24 =	sand.u32 $0x380, s31;
	s2 =	sor.u32 s25, s2;
	v19 =	vmul.f32 $8.192000120e+02, v22;
	v3 =	vmin.f32 v3, $1.638300000e+04;
	v2 =	vadd.f32 v13, v2  }
0x1c7: {  	s2 =	sor.u32 s24, s2;
	v3 =	vadd.f32 v3, v8;
	v8 =	vmul.f32 $1.638400000e+04, v17;
	v17 =	vadd.f32 $-1.000000000e+00, v23  }
0x1c8: {  	v25 =	vld [tilespmem:s2+$0x6030];
	v5 =	vmax.f32 v5, $0.0e+00;
	v13 =	vadd.f32 $-1.000000000e+00, v21;
	v6 =	vmul.f32 v16, v6  }
0x1c9: {  	v5 =	vmin.f32 v5, $1.638300000e+04;
	v16 =	vld [tilespmem:s2+$0x6070];
	v2 =	vtrunc.f32 v2;
	v17 =	vmul.f32 v17, v19  }
0x1ca: {  	v5 =	vadd.f32 v5, v11;
	v13 =	vmul.f32 v13, v15;
	v15 =	vld [tilespmem:s2+$0x4020];
	v3 =	vtrunc.f32 v3  }
0x1cb: {  	v4 =	vadd.f32 $8.192000000e+03, v4;
	v19 =	vmul.f32 $1.638400000e+04, v10;
	v10 =	vld [tilespmem:s2+$0x4040];
	v20 =	vcvt.f32.s32 v2  }
0x1cc: {  	v2 =	vld [tilespmem:s2+$0x4000];
	v24 =	vcvt.f32.s32 v3;
	v3 =	vadd.f32 $8.192000000e+03, v13;
	v13 =	vadd.f32 $8.192000000e+03, v17  }
0x1cd: {  	v11 =	vld [tilespmem:s2+$0x4050];
	v5 =	vtrunc.f32 v5;
	v4 =	vmax.f32 v4, $0.0e+00;
	v23 =	vadd.f32 $8.192000000e+03, v6  }
0x1ce: {  	v27 =	vld [tilespmem:s2+$0x6050];
	v21 =	vcvt.f32.s32 v5;
	v4 =	vmin.f32 v4, $1.638300000e+04;
	v13 =	vmax.f32 v13, $0.0e+00  }
0x1cf: {  	v5 =	vld [tilespmem:s2+$0x4060];
	v16 =	vcvt.s32.f32 v16;
	v3 =	vmax.f32 v3, $0.0e+00;
	v13 =	vmin.f32 v13, $1.638300000e+04  }
0x1d0: {  	v17 =	vld [tilespmem:s2+$0x6000];
	v22 =	vmin.f32 v3, $1.638300000e+04;
	v6 =	vmul.f32 $8.192000120e+02, v15;
	v3 =	vmul.f32 $8.192000120e+02, v10  }
0x1d1: {  	v8 =	vadd.f32 v13, v8;
	v26 =	vmul.f32 $8.192000120e+02, v2;
	v13 =	vld [tilespmem:s2+$0x6040];
	v2 =	vadd.f32 v4, v14  }
0x1d2: {  	v10 =	vmul.f32 $8.192000120e+02, v11;
	v4 =	vld [tilespmem:s2+$0x6020];
	v14 =	vmax.f32 v23, $0.0e+00;
	v23 =	vadd.f32 $-1.000000000e+00, v18  }
0x1d3: {  	v15 =	vmul.f32 $1.638400000e+04, v12;
	v12 =	vld [tilespmem:s2+$0x6060];
	v14 =	vmin.f32 v14, $1.638300000e+04;
	v28 =	vtrunc.f32 v2  }
0x1d4: {  	v2 =	vmul.f32 $8.192000120e+02, v5;
	v5 =	vmul.f32 v23, v7;
	v7 =	vadd.f32 v14, v19  }
0x1d5: {  	v29 =	vld [tilespmem:s2+$0x4030];
	v11 =	vcvt.s32.f32 v17;
	v18 =	vtrunc.f32 v8  }
0x1d6: {  	v30 =	vld [tilespmem:s2+$0x4070];
	v9 =	vadd.f32 v22, v9;
	v14 =	vtrunc.f32 v7;
	v7 =	vcvt.s32.f32 v27  }
0x1d7: {  	v19 =	vld [tilespmem:s2+$0x6010];
	v23 =	vadd.f32 v11, v11;
	v8 =	vcvt.s32.f32 v13;
	v13 =	vcvt.s32.f32 v4  }
0x1d8: {  	v4 =	vcvt.s32.f32 v25;
	v25 =	vadd.f32 $8.192000000e+03, v5;
	v5 =	vcvt.s32.f32 v12  }
0x1d9: {  	v12 =	vadd.f32 v16, v16;
	v31 =	vcvt.f32.s32 v14;
	v63 =	vadd.f32 $-1.000000000e+00, v23  }
0x1da: {  	v14 =	vmul.f32 $8.192000120e+02, v29;
	v29 =	vadd.f32 v7, v7;
	v17 =	vadd.f32 v8, v8  }
0x1db: {  	[tilespmem:v20+s21+$0x0] =	vst.idx.add.s32.msk $0xffff, v1;
	v27 =	vmul.f32 $8.192000120e+02, v30;
	v22 =	vadd.f32 v13, v13;
	v12 =	vadd.f32 $-1.000000000e+00, v12  }
0x1dc: {  	[tilespmem:v21+s21+$0x0] =	vst.idx.add.s32.msk $0xffff, v1;
	v25 =	vmax.f32 v25, $0.0e+00;
	v21 =	vcvt.s32.f32 v19;
	v19 =	vtrunc.f32 v9  }
0x1dd: {  	v20 =	vld [tilespmem:s2+$0x4010];
	v23 =	vadd.f32 v4, v4;
	v9 =	vadd.f32 v5, v5;
	v12 =	vmul.f32 v12, v27  }
0x1de: {  	[tilespmem:v24+s21+$0x0] =	vst.idx.add.s32.msk $0xffff, v1;
	v24 =	vadd.f32 $-1.000000000e+00, v29;
	v25 =	vmin.f32 v25, $1.638300000e+04;
	v27 =	vmul.f32 v63, v26  }
0x1df: {  	s2 =	simm.s32 $0x8;
	v26 =	vadd.f32 $8.192000000e+03, v12;
	v12 =	vcvt.f32.s32 v19;
	[tilespmem:v31+s21+$0x0] =	vst.idx.add.s32.msk $0xffff, v1;
	v19 =	vcvt.f32.s32 v28  }
.LBB2_12:
0x1e0: {  	s2 =	sadd.s32 $0x8, s2;
	v27 =	vadd.f32 $8.192000000e+03, v27;
	v16 =	vmul.f32 $1.638400000e+04, v16;
	s0 =	sadd.s32 $0x400, s0;
	v18 =	vcvt.f32.s32 v18  }
0x1e1: {  	v28 =	vadd.f32 v21, v21;
	v15 =	vadd.f32 v25, v15;
	s24 =	sshll.u32 s2, $0x4;
	s25 =	sshll.u32 s2, $0x2;
	p0 =	slt.u32 s2, $0x1F8;
	v26 =	vmax.f32 v26, $0.0e+00  }
0x1e2: {  	v22 =	vadd.f32 $-1.000000000e+00, v22;
	s26 =	sand.u32 $0xC00, s0;
	s24 =	sand.u32 $0x1000, s24;
	v25 =	vmax.f32 v27, $0.0e+00;
	v26 =	vmin.f32 v26, $1.638300000e+04  }
0x1e3: {  	v10 =	vmul.f32 v24, v10;
	s25 =	sand.u32 $0x380, s25;
	v15 =	vtrunc.f32 v15;
	s24 =	sor.u32 s26, s24;
	v16 =	vadd.f32 v26, v16  }
0x1e4: {  	v11 =	vmul.f32 $1.638400000e+04, v11;
	v6 =	vmul.f32 v22, v6;
	v24 =	vmin.f32 v25, $1.638300000e+04;
	s24 =	sor.u32 s25, s24  }
0x1e5: {  	v20 =	vmul.f32 $8.192000120e+02, v20;
	v17 =	vadd.f32 $-1.000000000e+00, v17;
	v22 =	vadd.f32 $-1.000000000e+00, v23;
	[tilespmem:v19+s21+$0x0] =	vst.idx.add.s32.msk $0xffff, v1  }
0x1e6: {  	v21 =	vmul.f32 $1.638400000e+04, v21;
	v11 =	vadd.f32 v24, v11;
	v6 =	vadd.f32 $8.192000000e+03, v6;
	v19 =	vld [tilespmem:s24+$0x6070]  }
0x1e7: {  	v13 =	vmul.f32 $1.638400000e+04, v13;
	v23 =	vadd.f32 $-1.000000000e+00, v28;
	v16 =	vtrunc.f32 v16;
	[tilespmem:v18+s21+$0x0] =	vst.idx.add.s32.msk $0xffff, v1  }
0x1e8: {  	v15 =	vcvt.f32.s32 v15;
	v6 =	vmax.f32 v6, $0.0e+00;
	v24 =	vcvt.f32.s32 v16;
	v18 =	vld [tilespmem:s24+$0x4000]  }
0x1e9: {  	v20 =	vmul.f32 v23, v20;
	v14 =	vmul.f32 v22, v14;
	v6 =	vmin.f32 v6, $1.638300000e+04;
	v16 =	vld [tilespmem:s24+$0x4050]  }
0x1ea: {  	v11 =	vtrunc.f32 v11;
	v6 =	vadd.f32 v6, v13;
	v13 =	vmul.f32 $1.638400000e+04, v8;
	v22 =	vld [tilespmem:s24+$0x4020]  }
0x1eb: {  	v10 =	vadd.f32 $8.192000000e+03, v10;
	v23 =	vcvt.f32.s32 v11;
	v11 =	vadd.f32 $8.192000000e+03, v14;
	v8 =	vld [tilespmem:s24+$0x4040]  }
0x1ec: {  	v3 =	vmul.f32 v17, v3;
	v14 =	vadd.f32 $8.192000000e+03, v20;
	v6 =	vtrunc.f32 v6;
	[tilespmem:v12+s21+$0x0] =	vst.idx.add.s32.msk $0xffff, v1  }
0x1ed: {  	v10 =	vmax.f32 v10, $0.0e+00;
	v25 =	vcvt.f32.s32 v6;
	v6 =	vmax.f32 v11, $0.0e+00;
	v12 =	vld [tilespmem:s24+$0x4060]  }
0x1ee: {  	v7 =	vmul.f32 $1.638400000e+04, v7;
	v17 =	vmin.f32 v10, $1.638300000e+04;
	v14 =	vmax.f32 v14, $0.0e+00;
	v11 =	vld [tilespmem:s24+$0x6000]  }
0x1ef: {  	v20 =	vadd.f32 $8.192000000e+03, v3;
	v10 =	vmin.f32 v14, $1.638300000e+04;
	v14 =	vmin.f32 v6, $1.638300000e+04;
	[tilespmem:v15+s21+$0x0] =	vst.idx.add.s32.msk $0xffff, v1  }
0x1f0: {  	v6 =	vmul.f32 $8.192000120e+02, v22;
	v22 =	vld [tilespmem:s24+$0x6030];
	v3 =	vmul.f32 $8.192000120e+02, v8;
	v8 =	vadd.f32 v10, v21  }
0x1f1: {  	v7 =	vadd.f32 v17, v7;
	v26 =	vmul.f32 $8.192000120e+02, v18;
	v10 =	vmul.f32 $8.192000120e+02, v16;
	v21 =	vld [tilespmem:s24+$0x6040]  }
0x1f2: {  	v4 =	vmul.f32 $1.638400000e+04, v4;
	v20 =	vmax.f32 v20, $0.0e+00;
	v15 =	vmul.f32 $1.638400000e+04, v5;
	v17 =	vld [tilespmem:s24+$0x6020]  }
0x1f3: {  	v16 =	vcvt.s32.f32 v19;
	v19 =	vtrunc.f32 v7;
	v7 =	vadd.f32 $-1.000000000e+00, v9;
	v5 =	vld [tilespmem:s24+$0x6060]  }
0x1f4: {  	v20 =	vmin.f32 v20, $1.638300000e+04;
	v18 =	vtrunc.f32 v8;
	v11 =	vcvt.s32.f32 v11;
	v9 =	vld [tilespmem:s24+$0x6050]  }
0x1f5: {  	v28 =	vadd.f32 v14, v4;
	v7 =	vmul.f32 v7, v2;
	v2 =	vmul.f32 $8.192000120e+02, v12;
	v27 =	vld [tilespmem:s24+$0x4030]  }
0x1f6: {  	v14 =	vadd.f32 v20, v13;
	v12 =	vadd.f32 v11, v11;
	v8 =	vcvt.s32.f32 v21;
	v21 =	vld [tilespmem:s24+$0x4070]  }
0x1f7: {  	v30 =	vadd.f32 $8.192000000e+03, v7;
	v4 =	vcvt.s32.f32 v22;
	v29 =	vld [tilespmem:s24+$0x6010];
	v13 =	vcvt.s32.f32 v17  }
0x1f8: {  	v14 =	vtrunc.f32 v14;
	v31 =	vadd.f32 v16, v16;
	v5 =	vcvt.s32.f32 v5;
	[tilespmem:v24+s21+$0x0] =	vst.idx.add.s32.msk $0xffff, v1  }
0x1f9: {  	v32 =	vcvt.f32.s32 v14;
	v17 =	vadd.f32 v8, v8;
	v20 =	vld [tilespmem:s24+$0x4010];
	v7 =	vcvt.s32.f32 v9  }
0x1fa: {  	v24 =	vadd.f32 $-1.000000000e+00, v31;
	v22 =	vadd.f32 v13, v13;
	v14 =	vmul.f32 $8.192000120e+02, v27;
	[tilespmem:v25+s21+$0x0] =	vst.idx.add.s32.msk $0xffff, v1  }
.Ltmp5:
0x1fb: {  	v30 =	vmax.f32 v30, $0.0e+00;
	v25 =	vadd.f32 v7, v7;
	v27 =	vmul.f32 $8.192000120e+02, v21;
	[tilespmem:v23+s21+$0x0] =	vst.idx.add.s32.msk $0xffff, v1;
	(pc) =	sbr.rel @p0 .LBB2_12-.Ltmp5, $4  }
0x1fc: {  	v28 =	vtrunc.f32 v28;
	v12 =	vadd.f32 $-1.000000000e+00, v12;
	v21 =	vcvt.s32.f32 v29  }
0x1fd: {  	v9 =	vadd.f32 v5, v5;
	v23 =	vadd.f32 v4, v4;
	v29 =	vmul.f32 v24, v27  }
0x1fe: {  	v27 =	vmul.f32 v12, v26;
	v24 =	vadd.f32 $-1.000000000e+00, v25;
	v25 =	vmin.f32 v30, $1.638300000e+04  }
0x1ff: {  	v19 =	vcvt.f32.s32 v19;
	v12 =	vcvt.f32.s32 v28;
	v26 =	vadd.f32 $8.192000000e+03, v29;
	[tilespmem:v32+s21+$0x0] =	vst.idx.add.s32.msk $0xffff, v1  }
0x200: {  	v27 =	vadd.f32 $8.192000000e+03, v27  }
0x201: {  	v16 =	vmul.f32 $1.638400000e+04, v16;
	v18 =	vcvt.f32.s32 v18;
	v28 =	vadd.f32 v21, v21  }
0x202: {  	v15 =	vadd.f32 v25, v15;
	v22 =	vadd.f32 $-1.000000000e+00, v22;
	v10 =	vmul.f32 v24, v10  }
0x203: {  	v11 =	vmul.f32 $1.638400000e+04, v11;
	v23 =	vadd.f32 $-1.000000000e+00, v23;
	v20 =	vmul.f32 $8.192000120e+02, v20  }
0x204: {  	v17 =	vadd.f32 $-1.000000000e+00, v17;
	v56 =	vmul.f32 $1.638400000e+04, v21;
	v13 =	vmul.f32 $1.638400000e+04, v13  }
0x205: {  	v8 =	vmul.f32 $1.638400000e+04, v8;
	v9 =	vadd.f32 $-1.000000000e+00, v9;
	v7 =	vmul.f32 $1.638400000e+04, v7  }
0x206: {  	v4 =	vmul.f32 $1.638400000e+04, v4;
	v5 =	vmul.f32 $1.638400000e+04, v5;
	v53 =	vmax.f32 v26, $0.0e+00  }
0x207: {  	v54 =	vmax.f32 v27, $0.0e+00;
	v25 =	vmin.f32 v53, $1.638300000e+04;
	v15 =	vtrunc.f32 v15  }
0x208: {  	v6 =	vmul.f32 v22, v6;
	v57 =	vadd.f32 $-1.000000000e+00, v28;
	v14 =	vmul.f32 v23, v14  }
0x209: {  	v3 =	vmul.f32 v17, v3;
	v10 =	vadd.f32 $8.192000000e+03, v10;
	v2 =	vmul.f32 v9, v2  }
0x20a: {  	v16 =	vadd.f32 v25, v16;
	v55 =	vmin.f32 v54, $1.638300000e+04;
	v15 =	vcvt.f32.s32 v15  }
0x20b: {  	v11 =	vadd.f32 v55, v11;
	v6 =	vadd.f32 $8.192000000e+03, v6;
	v20 =	vmul.f32 v57, v20  }
0x20c: {  	v58 =	vadd.f32 $8.192000000e+03, v14;
	v3 =	vadd.f32 $8.192000000e+03, v3;
	v10 =	vmax.f32 v10, $0.0e+00  }
0x20d: {  	v2 =	vadd.f32 $8.192000000e+03, v2;
	v16 =	vtrunc.f32 v16;
	v10 =	vmin.f32 v10, $1.638300000e+04  }
0x20e: {  	v6 =	vmax.f32 v6, $0.0e+00;
	v16 =	vcvt.f32.s32 v16;
	v11 =	vtrunc.f32 v11  }
0x20f: {  	v59 =	vadd.f32 $8.192000000e+03, v20;
	v3 =	vmax.f32 v3, $0.0e+00;
	v7 =	vadd.f32 v10, v7  }
0x210: {  	v2 =	vmax.f32 v2, $0.0e+00;
	v6 =	vmin.f32 v6, $1.638300000e+04;
	v11 =	vcvt.f32.s32 v11  }
0x211: {  	v3 =	vmin.f32 v3, $1.638300000e+04;
	v2 =	vmin.f32 v2, $1.638300000e+04;
	v6 =	vadd.f32 v6, v13  }
0x212: {  	v13 =	vmax.f32 v58, $0.0e+00;
	v14 =	vmax.f32 v59, $0.0e+00;
	v3 =	vadd.f32 v3, v8  }
0x213: {  	v7 =	vtrunc.f32 v7;
	v2 =	vadd.f32 v2, v5;
	v60 =	vmin.f32 v14, $1.638300000e+04  }
0x214: {  	[tilespmem:v19+s21+$0x0] =	vst.idx.add.s32.msk $0xffff, v1;
	v61 =	vmin.f32 v13, $1.638300000e+04;
	v7 =	vcvt.f32.s32 v7;
	v6 =	vtrunc.f32 v6  }
0x215: {  	[tilespmem:v12+s21+$0x0] =	vst.idx.add.s32.msk $0xffff, v1;
	v62 =	vadd.f32 v60, v56;
	v3 =	vtrunc.f32 v3;
	v6 =	vcvt.f32.s32 v6  }
0x216: {  	[tilespmem:v18+s21+$0x0] =	vst.idx.add.s32.msk $0xffff, v1;
	v4 =	vadd.f32 v61, v4;
	v2 =	vtrunc.f32 v2;
	v3 =	vcvt.f32.s32 v3  }
0x217: {  	[tilespmem:v15+s21+$0x0] =	vst.idx.add.s32.msk $0xffff, v1;
	v2 =	vcvt.f32.s32 v2;
	v8 =	vtrunc.f32 v62  }
0x218: {  	v4 =	vtrunc.f32 v4;
	[tilespmem:v16+s21+$0x0] =	vst.idx.add.s32.msk $0xffff, v1;
	v63 =	vcvt.f32.s32 v8  }
0x219: {  	v4 =	vcvt.f32.s32 v4;
	[tilespmem:v11+s21+$0x0] =	vst.idx.add.s32.msk $0xffff, v1  }
0x21a: {  	[tilespmem:v7+s21+$0x0] =	vst.idx.add.s32.msk $0xffff, v1  }
0x21b: {  	[tilespmem:v6+s21+$0x0] =	vst.idx.add.s32.msk $0xffff, v1  }
0x21c: {  	[tilespmem:v3+s21+$0x0] =	vst.idx.add.s32.msk $0xffff, v1  }
0x21d: {  	[tilespmem:v2+s21+$0x0] =	vst.idx.add.s32.msk $0xffff, v1  }
0x21e: {  	[tilespmem:v63+s21+$0x0] =	vst.idx.add.s32.msk $0xffff, v1  }
0x21f: {  	[tilespmem:v4+s21+$0x0] =	vst.idx.add.s32.msk $0xffff, v1  }
0x220: {  	[hbm4b:s12+s4] =	stream.linear.scatter [tilespmem:s21], [sflag:$0x3], $0x2000, $0x38;
	[tilespmem:$0x10000] =	vst v63  }
0x221: {  	_ =	swait.ge [sflag:s23], $0x2000  }
0x222: {  	[sflag:s23] =	ssyncset.done $0x0  }
0x223: {  	s0 =	simm.s32 $0xA000;
	[sflag:s23] =	ssyncadd.s32 $0xFFFFE000  }
0x224: {  	[hbm4b:s13+s4] =	stream.linear.scatter [tilespmem:s0], [sflag:$0x3], $0x2000, $0x38;
	[tilespmem:$0x10000] =	vst v63  }
0x225: {  	_ =	swait.ge [sflag:s23], $0x2000  }
0x226: {  	[sflag:s23] =	ssyncset.done $0x0  }
0x227: {  	s30 =	simm.s32 $0xC000;
	[sflag:s23] =	ssyncadd.s32 $0xFFFFE000  }
0x228: {  	[hbm4b:s14+s4] =	stream.linear.scatter [tilespmem:s30], [sflag:$0x3], $0x2000, $0x38;
	[tilespmem:$0x10000] =	vst v63  }
0x229: {  	s28 =	sadd.s32 $0x1, s28;
	_ =	swait.ge [sflag:s23], $0x2000  }
0x22a: {  	p0 =	sne.s32 s28, s16;
	[sflag:s23] =	ssyncset.done $0x0  }
.Ltmp6:
0x22b: {  	s31 =	simm.s32 $0xE000;
	[sflag:s23] =	ssyncadd.s32 $0xFFFFE000;
	(pc) =	sbr.rel @p0 .LBB2_1-.Ltmp6, $4  }
0x22c: {  	[hbm4b:s15+s4] =	stream.linear.scatter [tilespmem:s31], [sflag:$0x3], $0x2000, $0x38;
	[tilespmem:$0x10000] =	vst v63  }
0x22d: {  	_ =	swait.ge [sflag:s23], $0x2000  }
0x22e: {  	[sflag:s23] =	ssyncset.done $0x0  }
0x22f: {  	[sflag:s23] =	ssyncadd.s32 $0xFFFFE000  }
0x230: {  	_ =	sfence.sel $0x180000  }
0x231: {  	[bflag:$0x0] =	sbarrier.arrive $0xFFFF  }
0x232: {  	_ =	strace $0x90000047  }
0x233: {  	s0 =	stileid.u32;
	[bflag:$0x2] =	sbarrier.arrive $0xFFFF  }
0x234: {  	p0 =	sne.s32 s0, $0x0;
	s0 =	rddreg [dreg:$0x3]  }
0x235: {  	s0 =	sadd.s32 @!p0 $0x100000, s0  }
0x236: {  	[sflag:s0] =	ssyncadd.tile.s32 @!p0 $0x1;
	_ =	shalt  }
.Lfunc_end2:
_tile_overlayer_lowered:
.L_overlay_start_2:
0x237: {  	(tag) =	ssettag $0x2  }
0x238: {  	s0 =	rddreg [dreg:$0x0];
	s2 =	stileid.u32  }
0x239: {  	s1 =	rddreg [dreg:$0x1];
	p0 =	sne.s32 s2, $0x0  }
0x23a: {  	s3 =	rddreg [dreg:$0x2];
	[bflag:$0x3] =	sbarrier.arrive $0xFFFF;
	s2 =	simm.s32 @!p0 $0x1C03  }
0x23b: {  	[timem:s3], [sflag:s2] =	dma.local @!p0 [hbm:s0], s1  }
0x23c: {  	s0 =	simm.s32 @!p0 $0x3  }
0x23d: {  	_ =	swait.ge @!p0 [sflag:s0], s1  }
0x23e: {  	s1 =	ssub.s32 @!p0 $0x0, s1;
	[sflag:s0] =	ssyncset.done @!p0 $0x0  }
0x23f: {  	[sflag:s0] =	ssyncadd.s32 @!p0 s1  }
0x240: {  	[bflag:$0x3] =	sbarrier.arrive $0xFFFF  }
0x241: {  	_ =	shalt  }

</sc_bundles>
